<compile_context>
chip_gen: v7x
topology: tpu7x:2x2x1
jax: 0.10.2.dev20260603
libtpu: 0.0.44.dev20260713+nightly
codegen_flags: <defaults>
</compile_context>

<pallas_src>
import functools

import jax
import jax.numpy as jnp
from jax import lax
from jax.experimental import pallas as pl
from jax.experimental.pallas import tpu as pltpu
from jax.experimental.pallas import tpu_sc as plsc

N = 10000
E = 320000
D = 128

NC = 2
NS = 16
NW = NC * NS
EW = E // NW
CH = 80
NCH = EW // CH
NPAD = 10240
RPT = NPAD // NS
EWP = 10112

_mesh = plsc.VectorSubcoreMesh(core_axis_name="c", subcore_axis_name="s")


@functools.partial(
    pl.kernel,
    out_type=jax.ShapeDtypeStruct((NC, NPAD), jnp.float32),
    mesh=_mesh,
    scratch_types=[
        pltpu.VMEM((NCH, CH), jnp.int32),
        pltpu.VMEM((NCH, CH), jnp.float32),
        pltpu.VMEM_SHARED((NPAD,), jnp.float32),
    ],
)
def _deg_kernel(dst_hbm, ew_hbm, zn_hbm, out_hbm, dst_v, ew_v, deg_sh):
    c = lax.axis_index("c")
    s = lax.axis_index("s")
    w = c * NS + s
    pltpu.sync_copy(zn_hbm, deg_sh.at[pl.ds(s * RPT, RPT)])
    pltpu.sync_copy(dst_hbm.at[w], dst_v)
    pltpu.sync_copy(ew_hbm.at[w], ew_v)
    plsc.subcore_barrier()

    def body(j, carry):
        pltpu.sync_copy(ew_v.at[j], deg_sh.at[dst_v.at[j]], add=True)
        return carry

    lax.fori_loop(0, NCH, body, 0)
    plsc.subcore_barrier()
    pltpu.sync_copy(deg_sh.at[pl.ds(s * RPT, RPT)],
                    out_hbm.at[c, pl.ds(s * RPT, RPT)])


@functools.partial(
    pl.kernel,
    out_type=jax.ShapeDtypeStruct((NC, NPAD, D), jnp.float32),
    mesh=_mesh,
    scratch_types=[
        pltpu.VMEM((EWP,), jnp.int32),
        pltpu.VMEM((EWP,), jnp.float32),
        pltpu.VMEM((CH,), jnp.int32),
        pltpu.VMEM((CH,), jnp.int32),
        pltpu.VMEM((CH, D), jnp.float32),
        pltpu.VMEM_SHARED((NPAD, D), jnp.float32),
    ],
)
def _agg_kernel(y_hbm, se_hbm, ew_hbm, z2_hbm, out_hbm,
                se_v, ew_v, src_c, dst_c, gbuf, acc_sh):
    c = lax.axis_index("c")
    s = lax.axis_index("s")
    w = c * NS + s
    pltpu.sync_copy(z2_hbm, acc_sh.at[pl.ds(s * RPT, RPT)])
    pltpu.sync_copy(se_hbm.at[w], se_v)
    pltpu.sync_copy(ew_hbm.at[w], ew_v)
    plsc.subcore_barrier()

    lane0 = jnp.zeros((16,), jnp.int32)
    gdn = lax.GatherDimensionNumbers(
        offset_dims=(), collapsed_slice_dims=(0,), start_index_map=(0,))

    def chunk(j, carry):
        @plsc.parallel_loop(0, CH // 16)
        def unpack(g):
            pv = se_v[pl.ds(j * CH + g * 16, 16)]
            sl = pl.ds(g * 16, 16)
            src_c[sl] = lax.bitwise_and(pv, 0xFFFF)
            dst_c[sl] = lax.shift_right_logical(pv, 16)
        pltpu.sync_copy(y_hbm.at[src_c], gbuf)

        @plsc.parallel_loop(0, CH, unroll=2)
        def scale(e):
            wv16 = ew_v[pl.ds(j * CH + e, 16)]
            wv = lax.gather(wv16, lane0[:, None], dimension_numbers=gdn,
                            slice_sizes=(1,),
                            mode=lax.GatherScatterMode.PROMISE_IN_BOUNDS)
            for v in range(D // 16):
                sl = pl.ds(v * 16, 16)
                gbuf[e, sl] = gbuf[e, sl] * wv
        pltpu.sync_copy(gbuf, acc_sh.at[dst_c], add=True)
        return carry

    lax.fori_loop(0, NCH, chunk, 0)
    plsc.subcore_barrier()
    pltpu.sync_copy(acc_sh.at[pl.ds(s * RPT, RPT)],
                    out_hbm.at[c, pl.ds(s * RPT, RPT)])


_BN = 2000


def _prep_body(dp_ref, x_ref, w_ref, y_ref, dinv_ref):
    deg = 1.0 + dp_ref[:, 0:1] + dp_ref[:, 1:2]
    dinv = lax.rsqrt(deg)
    xw = jnp.dot(x_ref[:, :], w_ref[:, :], preferred_element_type=jnp.float32)
    y_ref[:, :] = dinv * xw
    dinv_ref[:, :] = dinv


def _mid_body(p0_ref, p1_ref, y0_ref, dinv_ref, b_ref, w_ref, y1_ref):
    dinv = dinv_ref[:, :]
    h = dinv * (p0_ref[:, :] + p1_ref[:, :] + y0_ref[:, :]) + b_ref[:, :]
    h = jnp.maximum(h, 0.0)
    y1_ref[:, :] = dinv * jnp.dot(h, w_ref[:, :],
                                  preferred_element_type=jnp.float32)


def _fin_body(q0_ref, q1_ref, y1_ref, dinv_ref, b_ref, out_ref):
    out_ref[:, :] = (dinv_ref[:, :]
                     * (q0_ref[:, :] + q1_ref[:, :] + y1_ref[:, :])
                     + b_ref[:, :])


def _row_spec(width):
    return pl.BlockSpec((_BN, width), lambda i: (i, 0))


def _full_spec(shape):
    return pl.BlockSpec(shape, lambda i: (0, 0))


def _prep(dp_t, x, W0):
    return pl.pallas_call(
        _prep_body,
        grid=(N // _BN,),
        in_specs=[_row_spec(2), _row_spec(D), _full_spec((D, D))],
        out_specs=[_row_spec(D), _row_spec(1)],
        out_shape=[jax.ShapeDtypeStruct((N, D), jnp.float32),
                   jax.ShapeDtypeStruct((N, 1), jnp.float32)],
    )(dp_t, x, W0)


def _mid(p0, p1, y0, dinv, b0, W1):
    return pl.pallas_call(
        _mid_body,
        grid=(N // _BN,),
        in_specs=[_row_spec(D), _row_spec(D), _row_spec(D), _row_spec(1),
                  _full_spec((1, D)), _full_spec((D, D))],
        out_specs=_row_spec(D),
        out_shape=jax.ShapeDtypeStruct((N, D), jnp.float32),
    )(p0, p1, y0, dinv, b0, W1)


def _fin(q0, q1, y1, dinv, b1):
    return pl.pallas_call(
        _fin_body,
        grid=(N // _BN,),
        in_specs=[_row_spec(D), _row_spec(D), _row_spec(D), _row_spec(1),
                  _full_spec((1, D))],
        out_specs=_row_spec(D),
        out_shape=jax.ShapeDtypeStruct((N, D), jnp.float32),
    )(q0, q1, y1, dinv, b1)


@jax.jit
def kernel(x, edge_index_0, edge_weight_0, W0, b0, W1, b1):
    src = edge_index_0[0]
    dst = edge_index_0[1]
    ew = edge_weight_0.reshape(NW, NCH, CH)
    se = jnp.concatenate(
        [(lax.shift_left(dst, 16) | src).reshape(NW, EW),
         jnp.zeros((NW, EWP - EW), jnp.int32)], axis=1)
    ew_flat = jnp.concatenate(
        [edge_weight_0.reshape(NW, EW),
         jnp.zeros((NW, EWP - EW), jnp.float32)], axis=1)
    zn = jnp.zeros((RPT,), jnp.float32)
    z2 = jnp.zeros((RPT, D), jnp.float32)

    degp = _deg_kernel(dst.reshape(NW, NCH, CH), ew, zn)
    dp_t = degp[:, :N].T
    y0, dinv = _prep(dp_t, x, W0)

    p = _agg_kernel(y0, se, ew_flat, z2)
    y1 = _mid(p[0, :N], p[1, :N], y0, dinv, b0.reshape(1, D), W1)

    q = _agg_kernel(y1, se, ew_flat, z2)
    return _fin(q[0, :N], q[1, :N], y1, dinv, b1.reshape(1, D))

# --- scband reference (transcript-rebuilt; emitter-appended) ---
"""Pipeline reference for scband-gcn-36773509988954 (READ-ONLY COPY).

The authoritative reference and input builder live on the scoring server;
editing this copy changes nothing except your own understanding.
"""

import jax, jax.numpy as jnp
import numpy as np

N = 10000
E = 320000
D = 128


def setup_inputs(seed: int = 0) -> dict:
    key = jax.random.key(seed)
    ks = jax.random.split(key, 8)
    x = jax.random.normal(ks[0], (N, D), dtype=jnp.float32)
    edge_index_0 = jax.random.randint(ks[1], (2, E), 0, N, dtype=jnp.int32)
    edge_weight_0 = jax.random.uniform(ks[2], (E,), dtype=jnp.float32)
    W0 = jax.random.normal(ks[3], (D, D), dtype=jnp.float32) * (1.0 / np.sqrt(D))
    b0 = jnp.zeros((D,), dtype=jnp.float32)
    W1 = jax.random.normal(ks[4], (D, D), dtype=jnp.float32) * (1.0 / np.sqrt(D))
    b1 = jnp.zeros((D,), dtype=jnp.float32)
    return {"x": x, "edge_index_0": edge_index_0, "edge_weight_0": edge_weight_0,
            "W0": W0, "b0": b0, "W1": W1, "b1": b1}


def gcn_conv(x, edge_index, edge_weight, W, b):
    # Faithful PyG GCNConv: add self loops, symmetric gcn_norm, linear, scatter-add aggregate.
    n = x.shape[0]
    src = edge_index[0]
    dst = edge_index[1]
    loop = jnp.arange(n, dtype=src.dtype)
    src = jnp.concatenate([src, loop])
    dst = jnp.concatenate([dst, loop])
    ew = jnp.concatenate([edge_weight, jnp.ones((n,), dtype=x.dtype)])
    deg = jax.ops.segment_sum(ew, dst, num_segments=n)
    deg_inv_sqrt = jnp.where(deg > 0, deg ** -0.5, 0.0)
    norm = deg_inv_sqrt[src] * ew * deg_inv_sqrt[dst]
    xw = x @ W
    msgs = norm[:, None] * jnp.take(xw, src, axis=0)
    out = jax.ops.segment_sum(msgs, dst, num_segments=n) + b
    return out


def reference(x, edge_index_0, edge_weight_0, W0, b0, W1, b1):
    h = gcn_conv(x, edge_index_0, edge_weight_0, W0, b0)
    h = jax.nn.relu(h)
    out = gcn_conv(h, edge_index_0, edge_weight_0, W1, b1)
    return out

if __name__ == "__main__":
    import jax
    _d = setup_inputs()
    print(jax.jit(kernel)(*tuple(_d.values())))

</pallas_src>

<mosaic_0001>
#map = affine_map<(d0, d1) -> (0, 0)>
#map1 = affine_map<(d0, d1) -> (0, 0, 0)>
module attributes {stable_mosaic.version = 14 : i64} {
  func.func @_agg_kernel(%arg0: i32, %arg1: i32, %arg2: memref<10000x128xf32, #tpu.memory_space<hbm>>, %arg3: memref<32x10112xi32, #tpu.memory_space<hbm>>, %arg4: memref<32x10112xf32, #tpu.memory_space<hbm>>, %arg5: memref<640x128xf32, #tpu.memory_space<hbm>>, %arg6: memref<2x10240x128xf32, #tpu.memory_space<hbm>>, %arg7: memref<10112xi32, #tpu.memory_space<vmem>>, %arg8: memref<10112xf32, #tpu.memory_space<vmem>>, %arg9: memref<80xi32, #tpu.memory_space<vmem>>, %arg10: memref<80xi32, #tpu.memory_space<vmem>>, %arg11: memref<80x128xf32, #tpu.memory_space<vmem>>, %arg12: memref<10240x128xf32, #tpu.memory_space<vmem_shared>>) attributes {dimension_semantics = [#tpu.dimension_semantics<core_parallel>, #tpu.dimension_semantics<subcore_parallel>], iteration_bounds = array<i64: 2, 16>, scalar_prefetch = 0 : i64, scratch_operands = 6 : i64, tpu.core_type = #tpu.core_type<sc_vector_subcore>, window_params = [{transform_indices = #map}, {transform_indices = #map}, {transform_indices = #map}, {transform_indices = #map}, {transform_indices = #map1}]} {
    %mul3A = arith.constant 16 : i32
    %mul3A_0 = arith.muli %arg0, %mul3A : i32
    %add3A = arith.addi %mul3A_0, %arg1 : i32
    %mul3A_1 = arith.constant 640 : i32
    %mul3A_2 = arith.muli %arg1, %mul3A_1 : i32
    "tpu.region"() ({
      %run_scoped3A = tpu.sem_alloc : memref<!tpu.dma_semaphore, #tpu.memory_space<semaphore_mem>>
      %dma_start3A = arith.constant 0 : i32
      %dma_start3A_14 = tpu.memref_slice %arg12[%mul3A_2, %dma_start3A] : memref<10240x128xf32, #tpu.memory_space<vmem_shared>> -> memref<640x128xf32, #tpu.memory_space<vmem_shared>>
      tpu.enqueue_dma source(%arg5 : memref<640x128xf32, #tpu.memory_space<hbm>>) target(%dma_start3A_14 : memref<640x128xf32, #tpu.memory_space<vmem_shared>>) target_semaphore(%run_scoped3A : memref<!tpu.dma_semaphore, #tpu.memory_space<semaphore_mem>>)
      %dma_wait3A = arith.constant 0 : i32
      %dma_wait3A_15 = tpu.memref_slice %arg12[%mul3A_2, %dma_wait3A] : memref<10240x128xf32, #tpu.memory_space<vmem_shared>> -> memref<640x128xf32, #tpu.memory_space<vmem_shared>>
      tpu.wait_dma2 semaphore(%run_scoped3A : memref<!tpu.dma_semaphore, #tpu.memory_space<semaphore_mem>>) src(%arg5 : memref<640x128xf32, #tpu.memory_space<hbm>>) dst(%dma_wait3A_15 : memref<640x128xf32, #tpu.memory_space<vmem_shared>>)
      tpu.yield
    }) : () -> ()
    "tpu.region"() ({
      %run_scoped3A = tpu.sem_alloc : memref<!tpu.dma_semaphore, #tpu.memory_space<semaphore_mem>>
      %dma_start3A = arith.constant 0 : i32
      %dma_start3A_14 = tpu.memref_slice %arg3[%add3A, %dma_start3A] : memref<32x10112xi32, #tpu.memory_space<hbm>> -> memref<1x10112xi32, #tpu.memory_space<hbm>>
      %dma_start3A_15 = tpu.memref_squeeze %dma_start3A_14 : memref<1x10112xi32, #tpu.memory_space<hbm>> -> memref<10112xi32, #tpu.memory_space<hbm>>
      %dma_start3A_16 = arith.constant 0 : i32
      %dma_start3A_17 = tpu.memref_slice %arg3[%add3A, %dma_start3A_16] : memref<32x10112xi32, #tpu.memory_space<hbm>> -> memref<1x10112xi32, #tpu.memory_space<hbm>>
      %dma_start3A_18 = tpu.memref_squeeze %dma_start3A_17 : memref<1x10112xi32, #tpu.memory_space<hbm>> -> memref<10112xi32, #tpu.memory_space<hbm>>
      tpu.enqueue_dma source(%dma_start3A_18 : memref<10112xi32, #tpu.memory_space<hbm>>) target(%arg7 : memref<10112xi32, #tpu.memory_space<vmem>>) target_semaphore(%run_scoped3A : memref<!tpu.dma_semaphore, #tpu.memory_space<semaphore_mem>>)
      %dma_wait3A = arith.constant 0 : i32
      %dma_wait3A_19 = tpu.memref_slice %arg3[%add3A, %dma_wait3A] : memref<32x10112xi32, #tpu.memory_space<hbm>> -> memref<1x10112xi32, #tpu.memory_space<hbm>>
      %dma_wait3A_20 = tpu.memref_squeeze %dma_wait3A_19 : memref<1x10112xi32, #tpu.memory_space<hbm>> -> memref<10112xi32, #tpu.memory_space<hbm>>
      %dma_wait3A_21 = arith.constant 0 : i32
      %dma_wait3A_22 = tpu.memref_slice %arg3[%add3A, %dma_wait3A_21] : memref<32x10112xi32, #tpu.memory_space<hbm>> -> memref<1x10112xi32, #tpu.memory_space<hbm>>
      %dma_wait3A_23 = tpu.memref_squeeze %dma_wait3A_22 : memref<1x10112xi32, #tpu.memory_space<hbm>> -> memref<10112xi32, #tpu.memory_space<hbm>>
      tpu.wait_dma2 semaphore(%run_scoped3A : memref<!tpu.dma_semaphore, #tpu.memory_space<semaphore_mem>>) src(%dma_wait3A_23 : memref<10112xi32, #tpu.memory_space<hbm>>) dst(%arg7 : memref<10112xi32, #tpu.memory_space<vmem>>)
      tpu.yield
    }) : () -> ()
    "tpu.region"() ({
      %run_scoped3A = tpu.sem_alloc : memref<!tpu.dma_semaphore, #tpu.memory_space<semaphore_mem>>
      %dma_start3A = arith.constant 0 : i32
      %dma_start3A_14 = tpu.memref_slice %arg4[%add3A, %dma_start3A] : memref<32x10112xf32, #tpu.memory_space<hbm>> -> memref<1x10112xf32, #tpu.memory_space<hbm>>
      %dma_start3A_15 = tpu.memref_squeeze %dma_start3A_14 : memref<1x10112xf32, #tpu.memory_space<hbm>> -> memref<10112xf32, #tpu.memory_space<hbm>>
      %dma_start3A_16 = arith.constant 0 : i32
      %dma_start3A_17 = tpu.memref_slice %arg4[%add3A, %dma_start3A_16] : memref<32x10112xf32, #tpu.memory_space<hbm>> -> memref<1x10112xf32, #tpu.memory_space<hbm>>
      %dma_start3A_18 = tpu.memref_squeeze %dma_start3A_17 : memref<1x10112xf32, #tpu.memory_space<hbm>> -> memref<10112xf32, #tpu.memory_space<hbm>>
      tpu.enqueue_dma source(%dma_start3A_18 : memref<10112xf32, #tpu.memory_space<hbm>>) target(%arg8 : memref<10112xf32, #tpu.memory_space<vmem>>) target_semaphore(%run_scoped3A : memref<!tpu.dma_semaphore, #tpu.memory_space<semaphore_mem>>)
      %dma_wait3A = arith.constant 0 : i32
      %dma_wait3A_19 = tpu.memref_slice %arg4[%add3A, %dma_wait3A] : memref<32x10112xf32, #tpu.memory_space<hbm>> -> memref<1x10112xf32, #tpu.memory_space<hbm>>
      %dma_wait3A_20 = tpu.memref_squeeze %dma_wait3A_19 : memref<1x10112xf32, #tpu.memory_space<hbm>> -> memref<10112xf32, #tpu.memory_space<hbm>>
      %dma_wait3A_21 = arith.constant 0 : i32
      %dma_wait3A_22 = tpu.memref_slice %arg4[%add3A, %dma_wait3A_21] : memref<32x10112xf32, #tpu.memory_space<hbm>> -> memref<1x10112xf32, #tpu.memory_space<hbm>>
      %dma_wait3A_23 = tpu.memref_squeeze %dma_wait3A_22 : memref<1x10112xf32, #tpu.memory_space<hbm>> -> memref<10112xf32, #tpu.memory_space<hbm>>
      tpu.wait_dma2 semaphore(%run_scoped3A : memref<!tpu.dma_semaphore, #tpu.memory_space<semaphore_mem>>) src(%dma_wait3A_23 : memref<10112xf32, #tpu.memory_space<hbm>>) dst(%arg8 : memref<10112xf32, #tpu.memory_space<vmem>>)
      tpu.yield
    }) : () -> ()
    %barrier3A = arith.constant 0 : index
    tpu.barrier barrier_id(%barrier3A)
    %broadcast_in_dim3A = arith.constant 0 : i32
    %broadcast_in_dim3A_3 = vector.broadcast %broadcast_in_dim3A : i32 to vector<16xi32>
    %scan3A = arith.constant 0 : i32
    %scan3A_4 = arith.constant 0 : i32
    %scan3A_5 = arith.constant 125 : i32
    %scan3A_6 = arith.addi %scan3A_4, %scan3A_5 : i32
    %scan3A_7 = arith.constant 1 : i32
    scf.for %scan3A_14 = %scan3A_4 to %scan3A_6 step %scan3A_7  : i32 {
      %parallel_loop3A = arith.constant 0 : i32
      %parallel_loop3A_15 = arith.constant 5 : i32
      %parallel_loop3A_16 = arith.constant 1 : i32
      scf.for %parallel_loop3A_20 = %parallel_loop3A to %parallel_loop3A_15 step %parallel_loop3A_16  : i32 {
        %parallel_loop3A_21 = arith.constant 80 : i32
        %parallel_loop3A_22 = arith.muli %scan3A_14, %parallel_loop3A_21 : i32
        %parallel_loop3A_23 = arith.constant 16 : i32
        %parallel_loop3A_24 = arith.muli %parallel_loop3A_20, %parallel_loop3A_23 : i32
        %parallel_loop3A_25 = arith.addi %parallel_loop3A_22, %parallel_loop3A_24 : i32
        %parallel_loop3A_26 = arith.index_cast %parallel_loop3A_25 : i32 to index
        %parallel_loop3A_27 = tpu.vector_load %arg7[%parallel_loop3A_26] {strides = array<i32>} : memref<10112xi32, #tpu.memory_space<vmem>>, vector<16xi32>,
        %parallel_loop3A_28 = vector.shape_cast %parallel_loop3A_27 : vector<16xi32> to vector<16xi32>
        %parallel_loop3A_29 = arith.constant 16 : i32
        %parallel_loop3A_30 = arith.muli %parallel_loop3A_20, %parallel_loop3A_29 : i32
        %parallel_loop3A_31 = arith.constant 65535 : i32
        %parallel_loop3A_32 = vector.broadcast %parallel_loop3A_31 : i32 to vector<16xi32>
        %parallel_loop3A_33 = arith.andi %parallel_loop3A_28, %parallel_loop3A_32 : vector<16xi32>
        %parallel_loop3A_34 = arith.index_cast %parallel_loop3A_30 : i32 to index
        %parallel_loop3A_35 = tpu.vector_load %arg9[%parallel_loop3A_34] {strides = array<i32>} : memref<80xi32, #tpu.memory_space<vmem>>, vector<16xi32>,
        %parallel_loop3A_36 = vector.shape_cast %parallel_loop3A_35 : vector<16xi32> to vector<16xi32>
        %parallel_loop3A_37 = vector.shape_cast %parallel_loop3A_33 : vector<16xi32> to vector<16xi32>
        tpu.vector_store %arg9[%parallel_loop3A_34], %parallel_loop3A_37 {strides = array<i32>} : memref<80xi32, #tpu.memory_space<vmem>>, vector<16xi32>,
        %parallel_loop3A_38 = arith.constant 16 : i32
        %parallel_loop3A_39 = vector.broadcast %parallel_loop3A_38 : i32 to vector<16xi32>
        %parallel_loop3A_40 = arith.shrui %parallel_loop3A_28, %parallel_loop3A_39 : vector<16xi32>
        %parallel_loop3A_41 = arith.index_cast %parallel_loop3A_30 : i32 to index
        %parallel_loop3A_42 = tpu.vector_load %arg10[%parallel_loop3A_41] {strides = array<i32>} : memref<80xi32, #tpu.memory_space<vmem>>, vector<16xi32>,
        %parallel_loop3A_43 = vector.shape_cast %parallel_loop3A_42 : vector<16xi32> to vector<16xi32>
        %parallel_loop3A_44 = vector.shape_cast %parallel_loop3A_40 : vector<16xi32> to vector<16xi32>
        tpu.vector_store %arg10[%parallel_loop3A_41], %parallel_loop3A_44 {strides = array<i32>} : memref<80xi32, #tpu.memory_space<vmem>>, vector<16xi32>,
      } {sc.loop_unroll_factor = 1 : i64, sc.parallel_access}
      "tpu.region"() ({
        %run_scoped3A = tpu.sem_alloc : memref<!tpu.dma_semaphore, #tpu.memory_space<semaphore_mem>>
        %dma_start3A = arith.constant 0 : i32
        %dma_start3A_20 = arith.constant 0 : i32
        %dma_start3A_21 = tpu.memref_slice %arg2[%dma_start3A, %dma_start3A_20] : memref<10000x128xf32, #tpu.memory_space<hbm>> -> memref<10000x128xf32, #tpu.memory_space<hbm>>
        tpu.enqueue_indirect_dma source(%dma_start3A_21 : memref<10000x128xf32, #tpu.memory_space<hbm>>) target(%arg11 : memref<80x128xf32, #tpu.memory_space<vmem>>) offsets(%arg9 : memref<80xi32, #tpu.memory_space<vmem>>) semaphore(%run_scoped3A : memref<!tpu.dma_semaphore, #tpu.memory_space<semaphore_mem>>)
        %dma_wait3A = arith.constant 0 : i32
        %dma_wait3A_22 = arith.constant 0 : i32
        %dma_wait3A_23 = tpu.memref_slice %arg2[%dma_wait3A, %dma_wait3A_22] : memref<10000x128xf32, #tpu.memory_space<hbm>> -> memref<10000x128xf32, #tpu.memory_space<hbm>>
        tpu.wait_indirect_dma semaphore(%run_scoped3A : memref<!tpu.dma_semaphore, #tpu.memory_space<semaphore_mem>>) src(%dma_wait3A_23 : memref<10000x128xf32, #tpu.memory_space<hbm>>) dst(%arg11 : memref<80x128xf32, #tpu.memory_space<vmem>>)
        tpu.yield
      }) : () -> ()
      %parallel_loop3A_17 = arith.constant 0 : i32
      %parallel_loop3A_18 = arith.constant 80 : i32
      %parallel_loop3A_19 = arith.constant 1 : i32
      scf.for %parallel_loop3A_20 = %parallel_loop3A_17 to %parallel_loop3A_18 step %parallel_loop3A_19  : i32 {
        %parallel_loop3A_21 = arith.constant 80 : i32
        %parallel_loop3A_22 = arith.muli %scan3A_14, %parallel_loop3A_21 : i32
        %parallel_loop3A_23 = arith.addi %parallel_loop3A_22, %parallel_loop3A_20 : i32
        %parallel_loop3A_24 = arith.index_cast %parallel_loop3A_23 : i32 to index
        %parallel_loop3A_25 = tpu.vector_load %arg8[%parallel_loop3A_24] {strides = array<i32>} : memref<10112xf32, #tpu.memory_space<vmem>>, vector<16xf32>,
        %parallel_loop3A_26 = vector.shape_cast %parallel_loop3A_25 : vector<16xf32> to vector<16xf32>
        %parallel_loop3A_27 = vector.shape_cast %broadcast_in_dim3A_3 : vector<16xi32> to vector<16x1xi32>
        %parallel_loop3A_28 = vector.shape_cast %parallel_loop3A_27 : vector<16x1xi32> to vector<16xi32>
        %parallel_loop3A_29 = tpu.dynamic_gather %parallel_loop3A_26[%parallel_loop3A_28] in [0] : vector<16xf32>, vector<16xi32> -> vector<16xf32>
        %parallel_loop3A_30 = arith.index_cast %parallel_loop3A_20 : i32 to index
        %parallel_loop3A_31 = arith.constant 0 : index
        %parallel_loop3A_32 = tpu.vector_load %arg11[%parallel_loop3A_30, %parallel_loop3A_31] {strides = array<i32>} : memref<80x128xf32, #tpu.memory_space<vmem>>, vector<1x16xf32>,
        %parallel_loop3A_33 = vector.shape_cast %parallel_loop3A_32 : vector<1x16xf32> to vector<16xf32>
        %parallel_loop3A_34 = arith.mulf %parallel_loop3A_33, %parallel_loop3A_29 : vector<16xf32>
        %parallel_loop3A_35 = arith.index_cast %parallel_loop3A_20 : i32 to index
        %parallel_loop3A_36 = arith.constant 0 : index
        %parallel_loop3A_37 = tpu.vector_load %arg11[%parallel_loop3A_35, %parallel_loop3A_36] {strides = array<i32>} : memref<80x128xf32, #tpu.memory_space<vmem>>, vector<1x16xf32>,
        %parallel_loop3A_38 = vector.shape_cast %parallel_loop3A_37 : vector<1x16xf32> to vector<16xf32>
        %parallel_loop3A_39 = vector.shape_cast %parallel_loop3A_34 : vector<16xf32> to vector<1x16xf32>
        tpu.vector_store %arg11[%parallel_loop3A_35, %parallel_loop3A_36], %parallel_loop3A_39 {strides = array<i32>} : memref<80x128xf32, #tpu.memory_space<vmem>>, vector<1x16xf32>,
        %parallel_loop3A_40 = arith.index_cast %parallel_loop3A_20 : i32 to index
        %parallel_loop3A_41 = arith.constant 16 : index
        %parallel_loop3A_42 = tpu.vector_load %arg11[%parallel_loop3A_40, %parallel_loop3A_41] {strides = array<i32>} : memref<80x128xf32, #tpu.memory_space<vmem>>, vector<1x16xf32>,
        %parallel_loop3A_43 = vector.shape_cast %parallel_loop3A_42 : vector<1x16xf32> to vector<16xf32>
        %parallel_loop3A_44 = arith.mulf %parallel_loop3A_43, %parallel_loop3A_29 : vector<16xf32>
        %parallel_loop3A_45 = arith.index_cast %parallel_loop3A_20 : i32 to index
        %parallel_loop3A_46 = arith.constant 16 : index
        %parallel_loop3A_47 = tpu.vector_load %arg11[%parallel_loop3A_45, %parallel_loop3A_46] {strides = array<i32>} : memref<80x128xf32, #tpu.memory_space<vmem>>, vector<1x16xf32>,
        %parallel_loop3A_48 = vector.shape_cast %parallel_loop3A_47 : vector<1x16xf32> to vector<16xf32>
        %parallel_loop3A_49 = vector.shape_cast %parallel_loop3A_44 : vector<16xf32> to vector<1x16xf32>
        tpu.vector_store %arg11[%parallel_loop3A_45, %parallel_loop3A_46], %parallel_loop3A_49 {strides = array<i32>} : memref<80x128xf32, #tpu.memory_space<vmem>>, vector<1x16xf32>,
        %parallel_loop3A_50 = arith.index_cast %parallel_loop3A_20 : i32 to index
        %parallel_loop3A_51 = arith.constant 32 : index
        %parallel_loop3A_52 = tpu.vector_load %arg11[%parallel_loop3A_50, %parallel_loop3A_51] {strides = array<i32>} : memref<80x128xf32, #tpu.memory_space<vmem>>, vector<1x16xf32>,
        %parallel_loop3A_53 = vector.shape_cast %parallel_loop3A_52 : vector<1x16xf32> to vector<16xf32>
        %parallel_loop3A_54 = arith.mulf %parallel_loop3A_53, %parallel_loop3A_29 : vector<16xf32>
        %parallel_loop3A_55 = arith.index_cast %parallel_loop3A_20 : i32 to index
        %parallel_loop3A_56 = arith.constant 32 : index
        %parallel_loop3A_57 = tpu.vector_load %arg11[%parallel_loop3A_55, %parallel_loop3A_56] {strides = array<i32>} : memref<80x128xf32, #tpu.memory_space<vmem>>, vector<1x16xf32>,
        %parallel_loop3A_58 = vector.shape_cast %parallel_loop3A_57 : vector<1x16xf32> to vector<16xf32>
        %parallel_loop3A_59 = vector.shape_cast %parallel_loop3A_54 : vector<16xf32> to vector<1x16xf32>
        tpu.vector_store %arg11[%parallel_loop3A_55, %parallel_loop3A_56], %parallel_loop3A_59 {strides = array<i32>} : memref<80x128xf32, #tpu.memory_space<vmem>>, vector<1x16xf32>,
        %parallel_loop3A_60 = arith.index_cast %parallel_loop3A_20 : i32 to index
        %parallel_loop3A_61 = arith.constant 48 : index
        %parallel_loop3A_62 = tpu.vector_load %arg11[%parallel_loop3A_60, %parallel_loop3A_61] {strides = array<i32>} : memref<80x128xf32, #tpu.memory_space<vmem>>, vector<1x16xf32>,
        %parallel_loop3A_63 = vector.shape_cast %parallel_loop3A_62 : vector<1x16xf32> to vector<16xf32>
        %parallel_loop3A_64 = arith.mulf %parallel_loop3A_63, %parallel_loop3A_29 : vector<16xf32>
        %parallel_loop3A_65 = arith.index_cast %parallel_loop3A_20 : i32 to index
        %parallel_loop3A_66 = arith.constant 48 : index
        %parallel_loop3A_67 = tpu.vector_load %arg11[%parallel_loop3A_65, %parallel_loop3A_66] {strides = array<i32>} : memref<80x128xf32, #tpu.memory_space<vmem>>, vector<1x16xf32>,
        %parallel_loop3A_68 = vector.shape_cast %parallel_loop3A_67 : vector<1x16xf32> to vector<16xf32>
        %parallel_loop3A_69 = vector.shape_cast %parallel_loop3A_64 : vector<16xf32> to vector<1x16xf32>
        tpu.vector_store %arg11[%parallel_loop3A_65, %parallel_loop3A_66], %parallel_loop3A_69 {strides = array<i32>} : memref<80x128xf32, #tpu.memory_space<vmem>>, vector<1x16xf32>,
        %parallel_loop3A_70 = arith.index_cast %parallel_loop3A_20 : i32 to index
        %parallel_loop3A_71 = arith.constant 64 : index
        %parallel_loop3A_72 = tpu.vector_load %arg11[%parallel_loop3A_70, %parallel_loop3A_71] {strides = array<i32>} : memref<80x128xf32, #tpu.memory_space<vmem>>, vector<1x16xf32>,
        %parallel_loop3A_73 = vector.shape_cast %parallel_loop3A_72 : vector<1x16xf32> to vector<16xf32>
        %parallel_loop3A_74 = arith.mulf %parallel_loop3A_73, %parallel_loop3A_29 : vector<16xf32>
        %parallel_loop3A_75 = arith.index_cast %parallel_loop3A_20 : i32 to index
        %parallel_loop3A_76 = arith.constant 64 : index
        %parallel_loop3A_77 = tpu.vector_load %arg11[%parallel_loop3A_75, %parallel_loop3A_76] {strides = array<i32>} : memref<80x128xf32, #tpu.memory_space<vmem>>, vector<1x16xf32>,
        %parallel_loop3A_78 = vector.shape_cast %parallel_loop3A_77 : vector<1x16xf32> to vector<16xf32>
        %parallel_loop3A_79 = vector.shape_cast %parallel_loop3A_74 : vector<16xf32> to vector<1x16xf32>
        tpu.vector_store %arg11[%parallel_loop3A_75, %parallel_loop3A_76], %parallel_loop3A_79 {strides = array<i32>} : memref<80x128xf32, #tpu.memory_space<vmem>>, vector<1x16xf32>,
        %parallel_loop3A_80 = arith.index_cast %parallel_loop3A_20 : i32 to index
        %parallel_loop3A_81 = arith.constant 80 : index
        %parallel_loop3A_82 = tpu.vector_load %arg11[%parallel_loop3A_80, %parallel_loop3A_81] {strides = array<i32>} : memref<80x128xf32, #tpu.memory_space<vmem>>, vector<1x16xf32>,
        %parallel_loop3A_83 = vector.shape_cast %parallel_loop3A_82 : vector<1x16xf32> to vector<16xf32>
        %parallel_loop3A_84 = arith.mulf %parallel_loop3A_83, %parallel_loop3A_29 : vector<16xf32>
        %parallel_loop3A_85 = arith.index_cast %parallel_loop3A_20 : i32 to index
        %parallel_loop3A_86 = arith.constant 80 : index
        %parallel_loop3A_87 = tpu.vector_load %arg11[%parallel_loop3A_85, %parallel_loop3A_86] {strides = array<i32>} : memref<80x128xf32, #tpu.memory_space<vmem>>, vector<1x16xf32>,
        %parallel_loop3A_88 = vector.shape_cast %parallel_loop3A_87 : vector<1x16xf32> to vector<16xf32>
        %parallel_loop3A_89 = vector.shape_cast %parallel_loop3A_84 : vector<16xf32> to vector<1x16xf32>
        tpu.vector_store %arg11[%parallel_loop3A_85, %parallel_loop3A_86], %parallel_loop3A_89 {strides = array<i32>} : memref<80x128xf32, #tpu.memory_space<vmem>>, vector<1x16xf32>,
        %parallel_loop3A_90 = arith.index_cast %parallel_loop3A_20 : i32 to index
        %parallel_loop3A_91 = arith.constant 96 : index
        %parallel_loop3A_92 = tpu.vector_load %arg11[%parallel_loop3A_90, %parallel_loop3A_91] {strides = array<i32>} : memref<80x128xf32, #tpu.memory_space<vmem>>, vector<1x16xf32>,
        %parallel_loop3A_93 = vector.shape_cast %parallel_loop3A_92 : vector<1x16xf32> to vector<16xf32>
        %parallel_loop3A_94 = arith.mulf %parallel_loop3A_93, %parallel_loop3A_29 : vector<16xf32>
        %parallel_loop3A_95 = arith.index_cast %parallel_loop3A_20 : i32 to index
        %parallel_loop3A_96 = arith.constant 96 : index
        %parallel_loop3A_97 = tpu.vector_load %arg11[%parallel_loop3A_95, %parallel_loop3A_96] {strides = array<i32>} : memref<80x128xf32, #tpu.memory_space<vmem>>, vector<1x16xf32>,
        %parallel_loop3A_98 = vector.shape_cast %parallel_loop3A_97 : vector<1x16xf32> to vector<16xf32>
        %parallel_loop3A_99 = vector.shape_cast %parallel_loop3A_94 : vector<16xf32> to vector<1x16xf32>
        tpu.vector_store %arg11[%parallel_loop3A_95, %parallel_loop3A_96], %parallel_loop3A_99 {strides = array<i32>} : memref<80x128xf32, #tpu.memory_space<vmem>>, vector<1x16xf32>,
        %parallel_loop3A_100 = arith.index_cast %parallel_loop3A_20 : i32 to index
        %parallel_loop3A_101 = arith.constant 112 : index
        %parallel_loop3A_102 = tpu.vector_load %arg11[%parallel_loop3A_100, %parallel_loop3A_101] {strides = array<i32>} : memref<80x128xf32, #tpu.memory_space<vmem>>, vector<1x16xf32>,
        %parallel_loop3A_103 = vector.shape_cast %parallel_loop3A_102 : vector<1x16xf32> to vector<16xf32>
        %parallel_loop3A_104 = arith.mulf %parallel_loop3A_103, %parallel_loop3A_29 : vector<16xf32>
        %parallel_loop3A_105 = arith.index_cast %parallel_loop3A_20 : i32 to index
        %parallel_loop3A_106 = arith.constant 112 : index
        %parallel_loop3A_107 = tpu.vector_load %arg11[%parallel_loop3A_105, %parallel_loop3A_106] {strides = array<i32>} : memref<80x128xf32, #tpu.memory_space<vmem>>, vector<1x16xf32>,
        %parallel_loop3A_108 = vector.shape_cast %parallel_loop3A_107 : vector<1x16xf32> to vector<16xf32>
        %parallel_loop3A_109 = vector.shape_cast %parallel_loop3A_104 : vector<16xf32> to vector<1x16xf32>
        tpu.vector_store %arg11[%parallel_loop3A_105, %parallel_loop3A_106], %parallel_loop3A_109 {strides = array<i32>} : memref<80x128xf32, #tpu.memory_space<vmem>>, vector<1x16xf32>,
      } {sc.loop_unroll_factor = 2 : i64, sc.parallel_access}
      "tpu.region"() ({
        %run_scoped3A = tpu.sem_alloc : memref<!tpu.dma_semaphore, #tpu.memory_space<semaphore_mem>>
        %dma_start3A = arith.constant 0 : i32
        %dma_start3A_20 = arith.constant 0 : i32
        %dma_start3A_21 = tpu.memref_slice %arg12[%dma_start3A, %dma_start3A_20] : memref<10240x128xf32, #tpu.memory_space<vmem_shared>> -> memref<10240x128xf32, #tpu.memory_space<vmem_shared>>
        tpu.enqueue_indirect_dma source(%arg11 : memref<80x128xf32, #tpu.memory_space<vmem>>) target(%dma_start3A_21 : memref<10240x128xf32, #tpu.memory_space<vmem_shared>>) offsets(%arg10 : memref<80xi32, #tpu.memory_space<vmem>>) semaphore(%run_scoped3A : memref<!tpu.dma_semaphore, #tpu.memory_space<semaphore_mem>>) {add = true}
        %dma_wait3A = arith.constant 0 : i32
        %dma_wait3A_22 = arith.constant 0 : i32
        %dma_wait3A_23 = tpu.memref_slice %arg12[%dma_wait3A, %dma_wait3A_22] : memref<10240x128xf32, #tpu.memory_space<vmem_shared>> -> memref<10240x128xf32, #tpu.memory_space<vmem_shared>>
        tpu.wait_indirect_dma semaphore(%run_scoped3A : memref<!tpu.dma_semaphore, #tpu.memory_space<semaphore_mem>>) src(%arg11 : memref<80x128xf32, #tpu.memory_space<vmem>>) dst(%dma_wait3A_23 : memref<10240x128xf32, #tpu.memory_space<vmem_shared>>)
        tpu.yield
      }) : () -> ()
    }
    %scan3A_8 = arith.constant 125 : i32
    %barrier3A_9 = arith.constant 0 : index
    tpu.barrier barrier_id(%barrier3A_9)
    %mul3A_10 = arith.constant 640 : i32
    %mul3A_11 = arith.muli %arg1, %mul3A_10 : i32
    %mul3A_12 = arith.constant 640 : i32
    %mul3A_13 = arith.muli %arg1, %mul3A_12 : i32
    "tpu.region"() ({
      %run_scoped3A = tpu.sem_alloc : memref<!tpu.dma_semaphore, #tpu.memory_space<semaphore_mem>>
      %dma_start3A = arith.constant 0 : i32
      %dma_start3A_14 = tpu.memref_slice %arg6[%arg0, %mul3A_13, %dma_start3A] : memref<2x10240x128xf32, #tpu.memory_space<hbm>> -> memref<1x640x128xf32, #tpu.memory_space<hbm>>
      %dma_start3A_15 = tpu.memref_squeeze %dma_start3A_14 : memref<1x640x128xf32, #tpu.memory_space<hbm>> -> memref<640x128xf32, #tpu.memory_space<hbm>>
      %dma_start3A_16 = arith.constant 0 : i32
      %dma_start3A_17 = tpu.memref_slice %arg12[%mul3A_11, %dma_start3A_16] : memref<10240x128xf32, #tpu.memory_space<vmem_shared>> -> memref<640x128xf32, #tpu.memory_space<vmem_shared>>
      tpu.enqueue_dma source(%dma_start3A_17 : memref<640x128xf32, #tpu.memory_space<vmem_shared>>) target(%dma_start3A_15 : memref<640x128xf32, #tpu.memory_space<hbm>>) target_semaphore(%run_scoped3A : memref<!tpu.dma_semaphore, #tpu.memory_space<semaphore_mem>>)
      %dma_wait3A = arith.constant 0 : i32
      %dma_wait3A_18 = tpu.memref_slice %arg6[%arg0, %mul3A_13, %dma_wait3A] : memref<2x10240x128xf32, #tpu.memory_space<hbm>> -> memref<1x640x128xf32, #tpu.memory_space<hbm>>
      %dma_wait3A_19 = tpu.memref_squeeze %dma_wait3A_18 : memref<1x640x128xf32, #tpu.memory_space<hbm>> -> memref<640x128xf32, #tpu.memory_space<hbm>>
      %dma_wait3A_20 = arith.constant 0 : i32
      %dma_wait3A_21 = tpu.memref_slice %arg12[%mul3A_11, %dma_wait3A_20] : memref<10240x128xf32, #tpu.memory_space<vmem_shared>> -> memref<640x128xf32, #tpu.memory_space<vmem_shared>>
      tpu.wait_dma2 semaphore(%run_scoped3A : memref<!tpu.dma_semaphore, #tpu.memory_space<semaphore_mem>>) src(%dma_wait3A_21 : memref<640x128xf32, #tpu.memory_space<vmem_shared>>) dst(%dma_wait3A_19 : memref<640x128xf32, #tpu.memory_space<hbm>>)
      tpu.yield
    }) : () -> ()
    return
  }
}

#map = affine_map<(d0, d1) -> (0, 0)>
#map1 = affine_map<(d0, d1) -> (0, 0, 0)>
module attributes {stable_mosaic.version = 14 : i64} {
  func.func @_agg_kernel(%arg0: i32, %arg1: i32, %arg2: memref<10000x128xf32, #tpu.memory_space<hbm>>, %arg3: memref<32x10112xi32, #tpu.memory_space<hbm>>, %arg4: memref<32x10112xf32, #tpu.memory_space<hbm>>, %arg5: memref<640x128xf32, #tpu.memory_space<hbm>>, %arg6: memref<2x10240x128xf32, #tpu.memory_space<hbm>>, %arg7: memref<10112xi32, #tpu.memory_space<vmem>>, %arg8: memref<10112xf32, #tpu.memory_space<vmem>>, %arg9: memref<80xi32, #tpu.memory_space<vmem>>, %arg10: memref<80xi32, #tpu.memory_space<vmem>>, %arg11: memref<80x128xf32, #tpu.memory_space<vmem>>, %arg12: memref<10240x128xf32, #tpu.memory_space<vmem_shared>>) attributes {dimension_semantics = [#tpu.dimension_semantics<core_parallel>, #tpu.dimension_semantics<subcore_parallel>], iteration_bounds = array<i64: 2, 16>, scalar_prefetch = 0 : i64, scratch_operands = 6 : i64, tpu.core_type = #tpu.core_type<sc_vector_subcore>, window_params = [{transform_indices = #map}, {transform_indices = #map}, {transform_indices = #map}, {transform_indices = #map}, {transform_indices = #map1}]} {
    %mul3A = arith.constant 16 : i32
    %mul3A_0 = arith.muli %arg0, %mul3A : i32
    %add3A = arith.addi %mul3A_0, %arg1 : i32
    %mul3A_1 = arith.constant 640 : i32
    %mul3A_2 = arith.muli %arg1, %mul3A_1 : i32
    "tpu.region"() ({
      %run_scoped3A = tpu.sem_alloc : memref<!tpu.dma_semaphore, #tpu.memory_space<semaphore_mem>>
      %dma_start3A = arith.constant 0 : i32
      %dma_start3A_14 = tpu.memref_slice %arg12[%mul3A_2, %dma_start3A] : memref<10240x128xf32, #tpu.memory_space<vmem_shared>> -> memref<640x128xf32, #tpu.memory_space<vmem_shared>>
      tpu.enqueue_dma source(%arg5 : memref<640x128xf32, #tpu.memory_space<hbm>>) target(%dma_start3A_14 : memref<640x128xf32, #tpu.memory_space<vmem_shared>>) target_semaphore(%run_scoped3A : memref<!tpu.dma_semaphore, #tpu.memory_space<semaphore_mem>>)
      %dma_wait3A = arith.constant 0 : i32
      %dma_wait3A_15 = tpu.memref_slice %arg12[%mul3A_2, %dma_wait3A] : memref<10240x128xf32, #tpu.memory_space<vmem_shared>> -> memref<640x128xf32, #tpu.memory_space<vmem_shared>>
      tpu.wait_dma2 semaphore(%run_scoped3A : memref<!tpu.dma_semaphore, #tpu.memory_space<semaphore_mem>>) src(%arg5 : memref<640x128xf32, #tpu.memory_space<hbm>>) dst(%dma_wait3A_15 : memref<640x128xf32, #tpu.memory_space<vmem_shared>>)
      tpu.yield
    }) : () -> ()
    "tpu.region"() ({
      %run_scoped3A = tpu.sem_alloc : memref<!tpu.dma_semaphore, #tpu.memory_space<semaphore_mem>>
      %dma_start3A = arith.constant 0 : i32
      %dma_start3A_14 = tpu.memref_slice %arg3[%add3A, %dma_start3A] : memref<32x10112xi32, #tpu.memory_space<hbm>> -> memref<1x10112xi32, #tpu.memory_space<hbm>>
      %dma_start3A_15 = tpu.memref_squeeze %dma_start3A_14 : memref<1x10112xi32, #tpu.memory_space<hbm>> -> memref<10112xi32, #tpu.memory_space<hbm>>
      %dma_start3A_16 = arith.constant 0 : i32
      %dma_start3A_17 = tpu.memref_slice %arg3[%add3A, %dma_start3A_16] : memref<32x10112xi32, #tpu.memory_space<hbm>> -> memref<1x10112xi32, #tpu.memory_space<hbm>>
      %dma_start3A_18 = tpu.memref_squeeze %dma_start3A_17 : memref<1x10112xi32, #tpu.memory_space<hbm>> -> memref<10112xi32, #tpu.memory_space<hbm>>
      tpu.enqueue_dma source(%dma_start3A_18 : memref<10112xi32, #tpu.memory_space<hbm>>) target(%arg7 : memref<10112xi32, #tpu.memory_space<vmem>>) target_semaphore(%run_scoped3A : memref<!tpu.dma_semaphore, #tpu.memory_space<semaphore_mem>>)
      %dma_wait3A = arith.constant 0 : i32
      %dma_wait3A_19 = tpu.memref_slice %arg3[%add3A, %dma_wait3A] : memref<32x10112xi32, #tpu.memory_space<hbm>> -> memref<1x10112xi32, #tpu.memory_space<hbm>>
      %dma_wait3A_20 = tpu.memref_squeeze %dma_wait3A_19 : memref<1x10112xi32, #tpu.memory_space<hbm>> -> memref<10112xi32, #tpu.memory_space<hbm>>
      %dma_wait3A_21 = arith.constant 0 : i32
      %dma_wait3A_22 = tpu.memref_slice %arg3[%add3A, %dma_wait3A_21] : memref<32x10112xi32, #tpu.memory_space<hbm>> -> memref<1x10112xi32, #tpu.memory_space<hbm>>
      %dma_wait3A_23 = tpu.memref_squeeze %dma_wait3A_22 : memref<1x10112xi32, #tpu.memory_space<hbm>> -> memref<10112xi32, #tpu.memory_space<hbm>>
      tpu.wait_dma2 semaphore(%run_scoped3A : memref<!tpu.dma_semaphore, #tpu.memory_space<semaphore_mem>>) src(%dma_wait3A_23 : memref<10112xi32, #tpu.memory_space<hbm>>) dst(%arg7 : memref<10112xi32, #tpu.memory_space<vmem>>)
      tpu.yield
    }) : () -> ()
    "tpu.region"() ({
      %run_scoped3A = tpu.sem_alloc : memref<!tpu.dma_semaphore, #tpu.memory_space<semaphore_mem>>
      %dma_start3A = arith.constant 0 : i32
      %dma_start3A_14 = tpu.memref_slice %arg4[%add3A, %dma_start3A] : memref<32x10112xf32, #tpu.memory_space<hbm>> -> memref<1x10112xf32, #tpu.memory_space<hbm>>
      %dma_start3A_15 = tpu.memref_squeeze %dma_start3A_14 : memref<1x10112xf32, #tpu.memory_space<hbm>> -> memref<10112xf32, #tpu.memory_space<hbm>>
      %dma_start3A_16 = arith.constant 0 : i32
      %dma_start3A_17 = tpu.memref_slice %arg4[%add3A, %dma_start3A_16] : memref<32x10112xf32, #tpu.memory_space<hbm>> -> memref<1x10112xf32, #tpu.memory_space<hbm>>
      %dma_start3A_18 = tpu.memref_squeeze %dma_start3A_17 : memref<1x10112xf32, #tpu.memory_space<hbm>> -> memref<10112xf32, #tpu.memory_space<hbm>>
      tpu.enqueue_dma source(%dma_start3A_18 : memref<10112xf32, #tpu.memory_space<hbm>>) target(%arg8 : memref<10112xf32, #tpu.memory_space<vmem>>) target_semaphore(%run_scoped3A : memref<!tpu.dma_semaphore, #tpu.memory_space<semaphore_mem>>)
      %dma_wait3A = arith.constant 0 : i32
      %dma_wait3A_19 = tpu.memref_slice %arg4[%add3A, %dma_wait3A] : memref<32x10112xf32, #tpu.memory_space<hbm>> -> memref<1x10112xf32, #tpu.memory_space<hbm>>
      %dma_wait3A_20 = tpu.memref_squeeze %dma_wait3A_19 : memref<1x10112xf32, #tpu.memory_space<hbm>> -> memref<10112xf32, #tpu.memory_space<hbm>>
      %dma_wait3A_21 = arith.constant 0 : i32
      %dma_wait3A_22 = tpu.memref_slice %arg4[%add3A, %dma_wait3A_21] : memref<32x10112xf32, #tpu.memory_space<hbm>> -> memref<1x10112xf32, #tpu.memory_space<hbm>>
      %dma_wait3A_23 = tpu.memref_squeeze %dma_wait3A_22 : memref<1x10112xf32, #tpu.memory_space<hbm>> -> memref<10112xf32, #tpu.memory_space<hbm>>
      tpu.wait_dma2 semaphore(%run_scoped3A : memref<!tpu.dma_semaphore, #tpu.memory_space<semaphore_mem>>) src(%dma_wait3A_23 : memref<10112xf32, #tpu.memory_space<hbm>>) dst(%arg8 : memref<10112xf32, #tpu.memory_space<vmem>>)
      tpu.yield
    }) : () -> ()
    %barrier3A = arith.constant 0 : index
    tpu.barrier barrier_id(%barrier3A)
    %broadcast_in_dim3A = arith.constant 0 : i32
    %broadcast_in_dim3A_3 = vector.broadcast %broadcast_in_dim3A : i32 to vector<16xi32>
    %scan3A = arith.constant 0 : i32
    %scan3A_4 = arith.constant 0 : i32
    %scan3A_5 = arith.constant 125 : i32
    %scan3A_6 = arith.addi %scan3A_4, %scan3A_5 : i32
    %scan3A_7 = arith.constant 1 : i32
    scf.for %scan3A_14 = %scan3A_4 to %scan3A_6 step %scan3A_7  : i32 {
      %parallel_loop3A = arith.constant 0 : i32
      %parallel_loop3A_15 = arith.constant 5 : i32
      %parallel_loop3A_16 = arith.constant 1 : i32
      scf.for %parallel_loop3A_20 = %parallel_loop3A to %parallel_loop3A_15 step %parallel_loop3A_16  : i32 {
        %parallel_loop3A_21 = arith.constant 80 : i32
        %parallel_loop3A_22 = arith.muli %scan3A_14, %parallel_loop3A_21 : i32
        %parallel_loop3A_23 = arith.constant 16 : i32
        %parallel_loop3A_24 = arith.muli %parallel_loop3A_20, %parallel_loop3A_23 : i32
        %parallel_loop3A_25 = arith.addi %parallel_loop3A_22, %parallel_loop3A_24 : i32
        %parallel_loop3A_26 = arith.index_cast %parallel_loop3A_25 : i32 to index
        %parallel_loop3A_27 = tpu.vector_load %arg7[%parallel_loop3A_26] {strides = array<i32>} : memref<10112xi32, #tpu.memory_space<vmem>>, vector<16xi32>,
        %parallel_loop3A_28 = vector.shape_cast %parallel_loop3A_27 : vector<16xi32> to vector<16xi32>
        %parallel_loop3A_29 = arith.constant 16 : i32
        %parallel_loop3A_30 = arith.muli %parallel_loop3A_20, %parallel_loop3A_29 : i32
        %parallel_loop3A_31 = arith.constant 65535 : i32
        %parallel_loop3A_32 = vector.broadcast %parallel_loop3A_31 : i32 to vector<16xi32>
        %parallel_loop3A_33 = arith.andi %parallel_loop3A_28, %parallel_loop3A_32 : vector<16xi32>
        %parallel_loop3A_34 = arith.index_cast %parallel_loop3A_30 : i32 to index
        %parallel_loop3A_35 = tpu.vector_load %arg9[%parallel_loop3A_34] {strides = array<i32>} : memref<80xi32, #tpu.memory_space<vmem>>, vector<16xi32>,
        %parallel_loop3A_36 = vector.shape_cast %parallel_loop3A_35 : vector<16xi32> to vector<16xi32>
        %parallel_loop3A_37 = vector.shape_cast %parallel_loop3A_33 : vector<16xi32> to vector<16xi32>
        tpu.vector_store %arg9[%parallel_loop3A_34], %parallel_loop3A_37 {strides = array<i32>} : memref<80xi32, #tpu.memory_space<vmem>>, vector<16xi32>,
        %parallel_loop3A_38 = arith.constant 16 : i32
        %parallel_loop3A_39 = vector.broadcast %parallel_loop3A_38 : i32 to vector<16xi32>
        %parallel_loop3A_40 = arith.shrui %parallel_loop3A_28, %parallel_loop3A_39 : vector<16xi32>
        %parallel_loop3A_41 = arith.index_cast %parallel_loop3A_30 : i32 to index
        %parallel_loop3A_42 = tpu.vector_load %arg10[%parallel_loop3A_41] {strides = array<i32>} : memref<80xi32, #tpu.memory_space<vmem>>, vector<16xi32>,
        %parallel_loop3A_43 = vector.shape_cast %parallel_loop3A_42 : vector<16xi32> to vector<16xi32>
        %parallel_loop3A_44 = vector.shape_cast %parallel_loop3A_40 : vector<16xi32> to vector<16xi32>
        tpu.vector_store %arg10[%parallel_loop3A_41], %parallel_loop3A_44 {strides = array<i32>} : memref<80xi32, #tpu.memory_space<vmem>>, vector<16xi32>,
      } {sc.loop_unroll_factor = 1 : i64, sc.parallel_access}
      "tpu.region"() ({
        %run_scoped3A = tpu.sem_alloc : memref<!tpu.dma_semaphore, #tpu.memory_space<semaphore_mem>>
        %dma_start3A = arith.constant 0 : i32
        %dma_start3A_20 = arith.constant 0 : i32
        %dma_start3A_21 = tpu.memref_slice %arg2[%dma_start3A, %dma_start3A_20] : memref<10000x128xf32, #tpu.memory_space<hbm>> -> memref<10000x128xf32, #tpu.memory_space<hbm>>
        tpu.enqueue_indirect_dma source(%dma_start3A_21 : memref<10000x128xf32, #tpu.memory_space<hbm>>) target(%arg11 : memref<80x128xf32, #tpu.memory_space<vmem>>) offsets(%arg9 : memref<80xi32, #tpu.memory_space<vmem>>) semaphore(%run_scoped3A : memref<!tpu.dma_semaphore, #tpu.memory_space<semaphore_mem>>)
        %dma_wait3A = arith.constant 0 : i32
        %dma_wait3A_22 = arith.constant 0 : i32
        %dma_wait3A_23 = tpu.memref_slice %arg2[%dma_wait3A, %dma_wait3A_22] : memref<10000x128xf32, #tpu.memory_space<hbm>> -> memref<10000x128xf32, #tpu.memory_space<hbm>>
        tpu.wait_indirect_dma semaphore(%run_scoped3A : memref<!tpu.dma_semaphore, #tpu.memory_space<semaphore_mem>>) src(%dma_wait3A_23 : memref<10000x128xf32, #tpu.memory_space<hbm>>) dst(%arg11 : memref<80x128xf32, #tpu.memory_space<vmem>>)
        tpu.yield
      }) : () -> ()
      %parallel_loop3A_17 = arith.constant 0 : i32
      %parallel_loop3A_18 = arith.constant 80 : i32
      %parallel_loop3A_19 = arith.constant 1 : i32
      scf.for %parallel_loop3A_20 = %parallel_loop3A_17 to %parallel_loop3A_18 step %parallel_loop3A_19  : i32 {
        %parallel_loop3A_21 = arith.constant 80 : i32
        %parallel_loop3A_22 = arith.muli %scan3A_14, %parallel_loop3A_21 : i32
        %parallel_loop3A_23 = arith.addi %parallel_loop3A_22, %parallel_loop3A_20 : i32
        %parallel_loop3A_24 = arith.index_cast %parallel_loop3A_23 : i32 to index
        %parallel_loop3A_25 = tpu.vector_load %arg8[%parallel_loop3A_24] {strides = array<i32>} : memref<10112xf32, #tpu.memory_space<vmem>>, vector<16xf32>,
        %parallel_loop3A_26 = vector.shape_cast %parallel_loop3A_25 : vector<16xf32> to vector<16xf32>
        %parallel_loop3A_27 = vector.shape_cast %broadcast_in_dim3A_3 : vector<16xi32> to vector<16x1xi32>
        %parallel_loop3A_28 = vector.shape_cast %parallel_loop3A_27 : vector<16x1xi32> to vector<16xi32>
        %parallel_loop3A_29 = tpu.dynamic_gather %parallel_loop3A_26[%parallel_loop3A_28] in [0] : vector<16xf32>, vector<16xi32> -> vector<16xf32>
        %parallel_loop3A_30 = arith.index_cast %parallel_loop3A_20 : i32 to index
        %parallel_loop3A_31 = arith.constant 0 : index
        %parallel_loop3A_32 = tpu.vector_load %arg11[%parallel_loop3A_30, %parallel_loop3A_31] {strides = array<i32>} : memref<80x128xf32, #tpu.memory_space<vmem>>, vector<1x16xf32>,
        %parallel_loop3A_33 = vector.shape_cast %parallel_loop3A_32 : vector<1x16xf32> to vector<16xf32>
        %parallel_loop3A_34 = arith.mulf %parallel_loop3A_33, %parallel_loop3A_29 : vector<16xf32>
        %parallel_loop3A_35 = arith.index_cast %parallel_loop3A_20 : i32 to index
        %parallel_loop3A_36 = arith.constant 0 : index
        %parallel_loop3A_37 = tpu.vector_load %arg11[%parallel_loop3A_35, %parallel_loop3A_36] {strides = array<i32>} : memref<80x128xf32, #tpu.memory_space<vmem>>, vector<1x16xf32>,
        %parallel_loop3A_38 = vector.shape_cast %parallel_loop3A_37 : vector<1x16xf32> to vector<16xf32>
        %parallel_loop3A_39 = vector.shape_cast %parallel_loop3A_34 : vector<16xf32> to vector<1x16xf32>
        tpu.vector_store %arg11[%parallel_loop3A_35, %parallel_loop3A_36], %parallel_loop3A_39 {strides = array<i32>} : memref<80x128xf32, #tpu.memory_space<vmem>>, vector<1x16xf32>,
        %parallel_loop3A_40 = arith.index_cast %parallel_loop3A_20 : i32 to index
        %parallel_loop3A_41 = arith.constant 16 : index
        %parallel_loop3A_42 = tpu.vector_load %arg11[%parallel_loop3A_40, %parallel_loop3A_41] {strides = array<i32>} : memref<80x128xf32, #tpu.memory_space<vmem>>, vector<1x16xf32>,
        %parallel_loop3A_43 = vector.shape_cast %parallel_loop3A_42 : vector<1x16xf32> to vector<16xf32>
        %parallel_loop3A_44 = arith.mulf %parallel_loop3A_43, %parallel_loop3A_29 : vector<16xf32>
        %parallel_loop3A_45 = arith.index_cast %parallel_loop3A_20 : i32 to index
        %parallel_loop3A_46 = arith.constant 16 : index
        %parallel_loop3A_47 = tpu.vector_load %arg11[%parallel_loop3A_45, %parallel_loop3A_46] {strides = array<i32>} : memref<80x128xf32, #tpu.memory_space<vmem>>, vector<1x16xf32>,
        %parallel_loop3A_48 = vector.shape_cast %parallel_loop3A_47 : vector<1x16xf32> to vector<16xf32>
        %parallel_loop3A_49 = vector.shape_cast %parallel_loop3A_44 : vector<16xf32> to vector<1x16xf32>
        tpu.vector_store %arg11[%parallel_loop3A_45, %parallel_loop3A_46], %parallel_loop3A_49 {strides = array<i32>} : memref<80x128xf32, #tpu.memory_space<vmem>>, vector<1x16xf32>,
        %parallel_loop3A_50 = arith.index_cast %parallel_loop3A_20 : i32 to index
        %parallel_loop3A_51 = arith.constant 32 : index
        %parallel_loop3A_52 = tpu.vector_load %arg11[%parallel_loop3A_50, %parallel_loop3A_51] {strides = array<i32>} : memref<80x128xf32, #tpu.memory_space<vmem>>, vector<1x16xf32>,
        %parallel_loop3A_53 = vector.shape_cast %parallel_loop3A_52 : vector<1x16xf32> to vector<16xf32>
        %parallel_loop3A_54 = arith.mulf %parallel_loop3A_53, %parallel_loop3A_29 : vector<16xf32>
        %parallel_loop3A_55 = arith.index_cast %parallel_loop3A_20 : i32 to index
        %parallel_loop3A_56 = arith.constant 32 : index
        %parallel_loop3A_57 = tpu.vector_load %arg11[%parallel_loop3A_55, %parallel_loop3A_56] {strides = array<i32>} : memref<80x128xf32, #tpu.memory_space<vmem>>, vector<1x16xf32>,
        %parallel_loop3A_58 = vector.shape_cast %parallel_loop3A_57 : vector<1x16xf32> to vector<16xf32>
        %parallel_loop3A_59 = vector.shape_cast %parallel_loop3A_54 : vector<16xf32> to vector<1x16xf32>
        tpu.vector_store %arg11[%parallel_loop3A_55, %parallel_loop3A_56], %parallel_loop3A_59 {strides = array<i32>} : memref<80x128xf32, #tpu.memory_space<vmem>>, vector<1x16xf32>,
        %parallel_loop3A_60 = arith.index_cast %parallel_loop3A_20 : i32 to index
        %parallel_loop3A_61 = arith.constant 48 : index
        %parallel_loop3A_62 = tpu.vector_load %arg11[%parallel_loop3A_60, %parallel_loop3A_61] {strides = array<i32>} : memref<80x128xf32, #tpu.memory_space<vmem>>, vector<1x16xf32>,
        %parallel_loop3A_63 = vector.shape_cast %parallel_loop3A_62 : vector<1x16xf32> to vector<16xf32>
        %parallel_loop3A_64 = arith.mulf %parallel_loop3A_63, %parallel_loop3A_29 : vector<16xf32>
        %parallel_loop3A_65 = arith.index_cast %parallel_loop3A_20 : i32 to index
        %parallel_loop3A_66 = arith.constant 48 : index
        %parallel_loop3A_67 = tpu.vector_load %arg11[%parallel_loop3A_65, %parallel_loop3A_66] {strides = array<i32>} : memref<80x128xf32, #tpu.memory_space<vmem>>, vector<1x16xf32>,
        %parallel_loop3A_68 = vector.shape_cast %parallel_loop3A_67 : vector<1x16xf32> to vector<16xf32>
        %parallel_loop3A_69 = vector.shape_cast %parallel_loop3A_64 : vector<16xf32> to vector<1x16xf32>
        tpu.vector_store %arg11[%parallel_loop3A_65, %parallel_loop3A_66], %parallel_loop3A_69 {strides = array<i32>} : memref<80x128xf32, #tpu.memory_space<vmem>>, vector<1x16xf32>,
        %parallel_loop3A_70 = arith.index_cast %parallel_loop3A_20 : i32 to index
        %parallel_loop3A_71 = arith.constant 64 : index
        %parallel_loop3A_72 = tpu.vector_load %arg11[%parallel_loop3A_70, %parallel_loop3A_71] {strides = array<i32>} : memref<80x128xf32, #tpu.memory_space<vmem>>, vector<1x16xf32>,
        %parallel_loop3A_73 = vector.shape_cast %parallel_loop3A_72 : vector<1x16xf32> to vector<16xf32>
        %parallel_loop3A_74 = arith.mulf %parallel_loop3A_73, %parallel_loop3A_29 : vector<16xf32>
        %parallel_loop3A_75 = arith.index_cast %parallel_loop3A_20 : i32 to index
        %parallel_loop3A_76 = arith.constant 64 : index
        %parallel_loop3A_77 = tpu.vector_load %arg11[%parallel_loop3A_75, %parallel_loop3A_76] {strides = array<i32>} : memref<80x128xf32, #tpu.memory_space<vmem>>, vector<1x16xf32>,
        %parallel_loop3A_78 = vector.shape_cast %parallel_loop3A_77 : vector<1x16xf32> to vector<16xf32>
        %parallel_loop3A_79 = vector.shape_cast %parallel_loop3A_74 : vector<16xf32> to vector<1x16xf32>
        tpu.vector_store %arg11[%parallel_loop3A_75, %parallel_loop3A_76], %parallel_loop3A_79 {strides = array<i32>} : memref<80x128xf32, #tpu.memory_space<vmem>>, vector<1x16xf32>,
        %parallel_loop3A_80 = arith.index_cast %parallel_loop3A_20 : i32 to index
        %parallel_loop3A_81 = arith.constant 80 : index
        %parallel_loop3A_82 = tpu.vector_load %arg11[%parallel_loop3A_80, %parallel_loop3A_81] {strides = array<i32>} : memref<80x128xf32, #tpu.memory_space<vmem>>, vector<1x16xf32>,
        %parallel_loop3A_83 = vector.shape_cast %parallel_loop3A_82 : vector<1x16xf32> to vector<16xf32>
        %parallel_loop3A_84 = arith.mulf %parallel_loop3A_83, %parallel_loop3A_29 : vector<16xf32>
        %parallel_loop3A_85 = arith.index_cast %parallel_loop3A_20 : i32 to index
        %parallel_loop3A_86 = arith.constant 80 : index
        %parallel_loop3A_87 = tpu.vector_load %arg11[%parallel_loop3A_85, %parallel_loop3A_86] {strides = array<i32>} : memref<80x128xf32, #tpu.memory_space<vmem>>, vector<1x16xf32>,
        %parallel_loop3A_88 = vector.shape_cast %parallel_loop3A_87 : vector<1x16xf32> to vector<16xf32>
        %parallel_loop3A_89 = vector.shape_cast %parallel_loop3A_84 : vector<16xf32> to vector<1x16xf32>
        tpu.vector_store %arg11[%parallel_loop3A_85, %parallel_loop3A_86], %parallel_loop3A_89 {strides = array<i32>} : memref<80x128xf32, #tpu.memory_space<vmem>>, vector<1x16xf32>,
        %parallel_loop3A_90 = arith.index_cast %parallel_loop3A_20 : i32 to index
        %parallel_loop3A_91 = arith.constant 96 : index
        %parallel_loop3A_92 = tpu.vector_load %arg11[%parallel_loop3A_90, %parallel_loop3A_91] {strides = array<i32>} : memref<80x128xf32, #tpu.memory_space<vmem>>, vector<1x16xf32>,
        %parallel_loop3A_93 = vector.shape_cast %parallel_loop3A_92 : vector<1x16xf32> to vector<16xf32>
        %parallel_loop3A_94 = arith.mulf %parallel_loop3A_93, %parallel_loop3A_29 : vector<16xf32>
        %parallel_loop3A_95 = arith.index_cast %parallel_loop3A_20 : i32 to index
        %parallel_loop3A_96 = arith.constant 96 : index
        %parallel_loop3A_97 = tpu.vector_load %arg11[%parallel_loop3A_95, %parallel_loop3A_96] {strides = array<i32>} : memref<80x128xf32, #tpu.memory_space<vmem>>, vector<1x16xf32>,
        %parallel_loop3A_98 = vector.shape_cast %parallel_loop3A_97 : vector<1x16xf32> to vector<16xf32>
        %parallel_loop3A_99 = vector.shape_cast %parallel_loop3A_94 : vector<16xf32> to vector<1x16xf32>
        tpu.vector_store %arg11[%parallel_loop3A_95, %parallel_loop3A_96], %parallel_loop3A_99 {strides = array<i32>} : memref<80x128xf32, #tpu.memory_space<vmem>>, vector<1x16xf32>,
        %parallel_loop3A_100 = arith.index_cast %parallel_loop3A_20 : i32 to index
        %parallel_loop3A_101 = arith.constant 112 : index
        %parallel_loop3A_102 = tpu.vector_load %arg11[%parallel_loop3A_100, %parallel_loop3A_101] {strides = array<i32>} : memref<80x128xf32, #tpu.memory_space<vmem>>, vector<1x16xf32>,
        %parallel_loop3A_103 = vector.shape_cast %parallel_loop3A_102 : vector<1x16xf32> to vector<16xf32>
        %parallel_loop3A_104 = arith.mulf %parallel_loop3A_103, %parallel_loop3A_29 : vector<16xf32>
        %parallel_loop3A_105 = arith.index_cast %parallel_loop3A_20 : i32 to index
        %parallel_loop3A_106 = arith.constant 112 : index
        %parallel_loop3A_107 = tpu.vector_load %arg11[%parallel_loop3A_105, %parallel_loop3A_106] {strides = array<i32>} : memref<80x128xf32, #tpu.memory_space<vmem>>, vector<1x16xf32>,
        %parallel_loop3A_108 = vector.shape_cast %parallel_loop3A_107 : vector<1x16xf32> to vector<16xf32>
        %parallel_loop3A_109 = vector.shape_cast %parallel_loop3A_104 : vector<16xf32> to vector<1x16xf32>
        tpu.vector_store %arg11[%parallel_loop3A_105, %parallel_loop3A_106], %parallel_loop3A_109 {strides = array<i32>} : memref<80x128xf32, #tpu.memory_space<vmem>>, vector<1x16xf32>,
      } {sc.loop_unroll_factor = 2 : i64, sc.parallel_access}
      "tpu.region"() ({
        %run_scoped3A = tpu.sem_alloc : memref<!tpu.dma_semaphore, #tpu.memory_space<semaphore_mem>>
        %dma_start3A = arith.constant 0 : i32
        %dma_start3A_20 = arith.constant 0 : i32
        %dma_start3A_21 = tpu.memref_slice %arg12[%dma_start3A, %dma_start3A_20] : memref<10240x128xf32, #tpu.memory_space<vmem_shared>> -> memref<10240x128xf32, #tpu.memory_space<vmem_shared>>
        tpu.enqueue_indirect_dma source(%arg11 : memref<80x128xf32, #tpu.memory_space<vmem>>) target(%dma_start3A_21 : memref<10240x128xf32, #tpu.memory_space<vmem_shared>>) offsets(%arg10 : memref<80xi32, #tpu.memory_space<vmem>>) semaphore(%run_scoped3A : memref<!tpu.dma_semaphore, #tpu.memory_space<semaphore_mem>>) {add = true}
        %dma_wait3A = arith.constant 0 : i32
        %dma_wait3A_22 = arith.constant 0 : i32
        %dma_wait3A_23 = tpu.memref_slice %arg12[%dma_wait3A, %dma_wait3A_22] : memref<10240x128xf32, #tpu.memory_space<vmem_shared>> -> memref<10240x128xf32, #tpu.memory_space<vmem_shared>>
        tpu.wait_indirect_dma semaphore(%run_scoped3A : memref<!tpu.dma_semaphore, #tpu.memory_space<semaphore_mem>>) src(%arg11 : memref<80x128xf32, #tpu.memory_space<vmem>>) dst(%dma_wait3A_23 : memref<10240x128xf32, #tpu.memory_space<vmem_shared>>)
        tpu.yield
      }) : () -> ()
    }
    %scan3A_8 = arith.constant 125 : i32
    %barrier3A_9 = arith.constant 0 : index
    tpu.barrier barrier_id(%barrier3A_9)
    %mul3A_10 = arith.constant 640 : i32
    %mul3A_11 = arith.muli %arg1, %mul3A_10 : i32
    %mul3A_12 = arith.constant 640 : i32
    %mul3A_13 = arith.muli %arg1, %mul3A_12 : i32
    "tpu.region"() ({
      %run_scoped3A = tpu.sem_alloc : memref<!tpu.dma_semaphore, #tpu.memory_space<semaphore_mem>>
      %dma_start3A = arith.constant 0 : i32
      %dma_start3A_14 = tpu.memref_slice %arg6[%arg0, %mul3A_13, %dma_start3A] : memref<2x10240x128xf32, #tpu.memory_space<hbm>> -> memref<1x640x128xf32, #tpu.memory_space<hbm>>
      %dma_start3A_15 = tpu.memref_squeeze %dma_start3A_14 : memref<1x640x128xf32, #tpu.memory_space<hbm>> -> memref<640x128xf32, #tpu.memory_space<hbm>>
      %dma_start3A_16 = arith.constant 0 : i32
      %dma_start3A_17 = tpu.memref_slice %arg12[%mul3A_11, %dma_start3A_16] : memref<10240x128xf32, #tpu.memory_space<vmem_shared>> -> memref<640x128xf32, #tpu.memory_space<vmem_shared>>
      tpu.enqueue_dma source(%dma_start3A_17 : memref<640x128xf32, #tpu.memory_space<vmem_shared>>) target(%dma_start3A_15 : memref<640x128xf32, #tpu.memory_space<hbm>>) target_semaphore(%run_scoped3A : memref<!tpu.dma_semaphore, #tpu.memory_space<semaphore_mem>>)
      %dma_wait3A = arith.constant 0 : i32
      %dma_wait3A_18 = tpu.memref_slice %arg6[%arg0, %mul3A_13, %dma_wait3A] : memref<2x10240x128xf32, #tpu.memory_space<hbm>> -> memref<1x640x128xf32, #tpu.memory_space<hbm>>
      %dma_wait3A_19 = tpu.memref_squeeze %dma_wait3A_18 : memref<1x640x128xf32, #tpu.memory_space<hbm>> -> memref<640x128xf32, #tpu.memory_space<hbm>>
      %dma_wait3A_20 = arith.constant 0 : i32
      %dma_wait3A_21 = tpu.memref_slice %arg12[%mul3A_11, %dma_wait3A_20] : memref<10240x128xf32, #tpu.memory_space<vmem_shared>> -> memref<640x128xf32, #tpu.memory_space<vmem_shared>>
      tpu.wait_dma2 semaphore(%run_scoped3A : memref<!tpu.dma_semaphore, #tpu.memory_space<semaphore_mem>>) src(%dma_wait3A_21 : memref<640x128xf32, #tpu.memory_space<vmem_shared>>) dst(%dma_wait3A_19 : memref<640x128xf32, #tpu.memory_space<hbm>>)
      tpu.yield
    }) : () -> ()
    return
  }
}

#map = affine_map<(d0, d1) -> (0, 0, 0)>
#map1 = affine_map<(d0, d1) -> (0)>
#map2 = affine_map<(d0, d1) -> (0, 0)>
module attributes {stable_mosaic.version = 14 : i64} {
  func.func @_deg_kernel(%arg0: i32, %arg1: i32, %arg2: memref<32x125x80xi32, #tpu.memory_space<hbm>>, %arg3: memref<32x125x80xf32, #tpu.memory_space<hbm>>, %arg4: memref<640xf32, #tpu.memory_space<hbm>>, %arg5: memref<2x10240xf32, #tpu.memory_space<hbm>>, %arg6: memref<125x80xi32, #tpu.memory_space<vmem>>, %arg7: memref<125x80xf32, #tpu.memory_space<vmem>>, %arg8: memref<10240xf32, #tpu.memory_space<vmem_shared>>) attributes {dimension_semantics = [#tpu.dimension_semantics<core_parallel>, #tpu.dimension_semantics<subcore_parallel>], iteration_bounds = array<i64: 2, 16>, scalar_prefetch = 0 : i64, scratch_operands = 3 : i64, tpu.core_type = #tpu.core_type<sc_vector_subcore>, window_params = [{transform_indices = #map}, {transform_indices = #map}, {transform_indices = #map1}, {transform_indices = #map2}]} {
    %mul3A = arith.constant 16 : i32
    %mul3A_0 = arith.muli %arg0, %mul3A : i32
    %add3A = arith.addi %mul3A_0, %arg1 : i32
    %mul3A_1 = arith.constant 640 : i32
    %mul3A_2 = arith.muli %arg1, %mul3A_1 : i32
    "tpu.region"() ({
      %run_scoped3A = tpu.sem_alloc : memref<!tpu.dma_semaphore, #tpu.memory_space<semaphore_mem>>
      %dma_start3A = tpu.memref_slice %arg8[%mul3A_2] : memref<10240xf32, #tpu.memory_space<vmem_shared>> -> memref<640xf32, #tpu.memory_space<vmem_shared>>
      tpu.enqueue_dma source(%arg4 : memref<640xf32, #tpu.memory_space<hbm>>) target(%dma_start3A : memref<640xf32, #tpu.memory_space<vmem_shared>>) target_semaphore(%run_scoped3A : memref<!tpu.dma_semaphore, #tpu.memory_space<semaphore_mem>>)
      %dma_wait3A = tpu.memref_slice %arg8[%mul3A_2] : memref<10240xf32, #tpu.memory_space<vmem_shared>> -> memref<640xf32, #tpu.memory_space<vmem_shared>>
      tpu.wait_dma2 semaphore(%run_scoped3A : memref<!tpu.dma_semaphore, #tpu.memory_space<semaphore_mem>>) src(%arg4 : memref<640xf32, #tpu.memory_space<hbm>>) dst(%dma_wait3A : memref<640xf32, #tpu.memory_space<vmem_shared>>)
      tpu.yield
    }) : () -> ()
    "tpu.region"() ({
      %run_scoped3A = tpu.sem_alloc : memref<!tpu.dma_semaphore, #tpu.memory_space<semaphore_mem>>
      %dma_start3A = arith.constant 0 : i32
      %dma_start3A_13 = arith.constant 0 : i32
      %dma_start3A_14 = tpu.memref_slice %arg2[%add3A, %dma_start3A, %dma_start3A_13] : memref<32x125x80xi32, #tpu.memory_space<hbm>> -> memref<1x125x80xi32, #tpu.memory_space<hbm>>
      %dma_start3A_15 = tpu.memref_squeeze %dma_start3A_14 : memref<1x125x80xi32, #tpu.memory_space<hbm>> -> memref<125x80xi32, #tpu.memory_space<hbm>>
      %dma_start3A_16 = arith.constant 0 : i32
      %dma_start3A_17 = arith.constant 0 : i32
      %dma_start3A_18 = tpu.memref_slice %arg2[%add3A, %dma_start3A_16, %dma_start3A_17] : memref<32x125x80xi32, #tpu.memory_space<hbm>> -> memref<1x125x80xi32, #tpu.memory_space<hbm>>
      %dma_start3A_19 = tpu.memref_squeeze %dma_start3A_18 : memref<1x125x80xi32, #tpu.memory_space<hbm>> -> memref<125x80xi32, #tpu.memory_space<hbm>>
      tpu.enqueue_dma source(%dma_start3A_19 : memref<125x80xi32, #tpu.memory_space<hbm>>) target(%arg6 : memref<125x80xi32, #tpu.memory_space<vmem>>) target_semaphore(%run_scoped3A : memref<!tpu.dma_semaphore, #tpu.memory_space<semaphore_mem>>)
      %dma_wait3A = arith.constant 0 : i32
      %dma_wait3A_20 = arith.constant 0 : i32
      %dma_wait3A_21 = tpu.memref_slice %arg2[%add3A, %dma_wait3A, %dma_wait3A_20] : memref<32x125x80xi32, #tpu.memory_space<hbm>> -> memref<1x125x80xi32, #tpu.memory_space<hbm>>
      %dma_wait3A_22 = tpu.memref_squeeze %dma_wait3A_21 : memref<1x125x80xi32, #tpu.memory_space<hbm>> -> memref<125x80xi32, #tpu.memory_space<hbm>>
      %dma_wait3A_23 = arith.constant 0 : i32
      %dma_wait3A_24 = arith.constant 0 : i32
      %dma_wait3A_25 = tpu.memref_slice %arg2[%add3A, %dma_wait3A_23, %dma_wait3A_24] : memref<32x125x80xi32, #tpu.memory_space<hbm>> -> memref<1x125x80xi32, #tpu.memory_space<hbm>>
      %dma_wait3A_26 = tpu.memref_squeeze %dma_wait3A_25 : memref<1x125x80xi32, #tpu.memory_space<hbm>> -> memref<125x80xi32, #tpu.memory_space<hbm>>
      tpu.wait_dma2 semaphore(%run_scoped3A : memref<!tpu.dma_semaphore, #tpu.memory_space<semaphore_mem>>) src(%dma_wait3A_26 : memref<125x80xi32, #tpu.memory_space<hbm>>) dst(%arg6 : memref<125x80xi32, #tpu.memory_space<vmem>>)
      tpu.yield
    }) : () -> ()
    "tpu.region"() ({
      %run_scoped3A = tpu.sem_alloc : memref<!tpu.dma_semaphore, #tpu.memory_space<semaphore_mem>>
      %dma_start3A = arith.constant 0 : i32
      %dma_start3A_13 = arith.constant 0 : i32
      %dma_start3A_14 = tpu.memref_slice %arg3[%add3A, %dma_start3A, %dma_start3A_13] : memref<32x125x80xf32, #tpu.memory_space<hbm>> -> memref<1x125x80xf32, #tpu.memory_space<hbm>>
      %dma_start3A_15 = tpu.memref_squeeze %dma_start3A_14 : memref<1x125x80xf32, #tpu.memory_space<hbm>> -> memref<125x80xf32, #tpu.memory_space<hbm>>
      %dma_start3A_16 = arith.constant 0 : i32
      %dma_start3A_17 = arith.constant 0 : i32
      %dma_start3A_18 = tpu.memref_slice %arg3[%add3A, %dma_start3A_16, %dma_start3A_17] : memref<32x125x80xf32, #tpu.memory_space<hbm>> -> memref<1x125x80xf32, #tpu.memory_space<hbm>>
      %dma_start3A_19 = tpu.memref_squeeze %dma_start3A_18 : memref<1x125x80xf32, #tpu.memory_space<hbm>> -> memref<125x80xf32, #tpu.memory_space<hbm>>
      tpu.enqueue_dma source(%dma_start3A_19 : memref<125x80xf32, #tpu.memory_space<hbm>>) target(%arg7 : memref<125x80xf32, #tpu.memory_space<vmem>>) target_semaphore(%run_scoped3A : memref<!tpu.dma_semaphore, #tpu.memory_space<semaphore_mem>>)
      %dma_wait3A = arith.constant 0 : i32
      %dma_wait3A_20 = arith.constant 0 : i32
      %dma_wait3A_21 = tpu.memref_slice %arg3[%add3A, %dma_wait3A, %dma_wait3A_20] : memref<32x125x80xf32, #tpu.memory_space<hbm>> -> memref<1x125x80xf32, #tpu.memory_space<hbm>>
      %dma_wait3A_22 = tpu.memref_squeeze %dma_wait3A_21 : memref<1x125x80xf32, #tpu.memory_space<hbm>> -> memref<125x80xf32, #tpu.memory_space<hbm>>
      %dma_wait3A_23 = arith.constant 0 : i32
      %dma_wait3A_24 = arith.constant 0 : i32
      %dma_wait3A_25 = tpu.memref_slice %arg3[%add3A, %dma_wait3A_23, %dma_wait3A_24] : memref<32x125x80xf32, #tpu.memory_space<hbm>> -> memref<1x125x80xf32, #tpu.memory_space<hbm>>
      %dma_wait3A_26 = tpu.memref_squeeze %dma_wait3A_25 : memref<1x125x80xf32, #tpu.memory_space<hbm>> -> memref<125x80xf32, #tpu.memory_space<hbm>>
      tpu.wait_dma2 semaphore(%run_scoped3A : memref<!tpu.dma_semaphore, #tpu.memory_space<semaphore_mem>>) src(%dma_wait3A_26 : memref<125x80xf32, #tpu.memory_space<hbm>>) dst(%arg7 : memref<125x80xf32, #tpu.memory_space<vmem>>)
      tpu.yield
    }) : () -> ()
    %barrier3A = arith.constant 0 : index
    tpu.barrier barrier_id(%barrier3A)
    %scan3A = arith.constant 0 : i32
    %scan3A_3 = arith.constant 0 : i32
    %scan3A_4 = arith.constant 125 : i32
    %scan3A_5 = arith.addi %scan3A_3, %scan3A_4 : i32
    %scan3A_6 = arith.constant 1 : i32
    scf.for %scan3A_13 = %scan3A_3 to %scan3A_5 step %scan3A_6  : i32 {
      "tpu.region"() ({
        %run_scoped3A = tpu.sem_alloc : memref<!tpu.dma_semaphore, #tpu.memory_space<semaphore_mem>>
        %dma_start3A = arith.constant 0 : i32
        %dma_start3A_14 = tpu.memref_slice %arg7[%scan3A_13, %dma_start3A] : memref<125x80xf32, #tpu.memory_space<vmem>> -> memref<1x80xf32, #tpu.memory_space<vmem>>
        %dma_start3A_15 = tpu.memref_squeeze %dma_start3A_14 : memref<1x80xf32, #tpu.memory_space<vmem>> -> memref<80xf32, #tpu.memory_space<vmem>>
        %dma_start3A_16 = arith.constant 0 : i32
        %dma_start3A_17 = tpu.memref_slice %arg6[%scan3A_13, %dma_start3A_16] : memref<125x80xi32, #tpu.memory_space<vmem>> -> memref<1x80xi32, #tpu.memory_space<vmem>>
        %dma_start3A_18 = tpu.memref_squeeze %dma_start3A_17 : memref<1x80xi32, #tpu.memory_space<vmem>> -> memref<80xi32, #tpu.memory_space<vmem>>
        %dma_start3A_19 = arith.constant 0 : i32
        %dma_start3A_20 = tpu.memref_slice %arg8[%dma_start3A_19] : memref<10240xf32, #tpu.memory_space<vmem_shared>> -> memref<10240xf32, #tpu.memory_space<vmem_shared>>
        tpu.enqueue_indirect_dma source(%dma_start3A_15 : memref<80xf32, #tpu.memory_space<vmem>>) target(%dma_start3A_20 : memref<10240xf32, #tpu.memory_space<vmem_shared>>) offsets(%dma_start3A_18 : memref<80xi32, #tpu.memory_space<vmem>>) semaphore(%run_scoped3A : memref<!tpu.dma_semaphore, #tpu.memory_space<semaphore_mem>>) {add = true}
        %dma_wait3A = arith.constant 0 : i32
        %dma_wait3A_21 = tpu.memref_slice %arg7[%scan3A_13, %dma_wait3A] : memref<125x80xf32, #tpu.memory_space<vmem>> -> memref<1x80xf32, #tpu.memory_space<vmem>>
        %dma_wait3A_22 = tpu.memref_squeeze %dma_wait3A_21 : memref<1x80xf32, #tpu.memory_space<vmem>> -> memref<80xf32, #tpu.memory_space<vmem>>
        %dma_wait3A_23 = arith.constant 0 : i32
        %dma_wait3A_24 = tpu.memref_slice %arg6[%scan3A_13, %dma_wait3A_23] : memref<125x80xi32, #tpu.memory_space<vmem>> -> memref<1x80xi32, #tpu.memory_space<vmem>>
        %dma_wait3A_25 = tpu.memref_squeeze %dma_wait3A_24 : memref<1x80xi32, #tpu.memory_space<vmem>> -> memref<80xi32, #tpu.memory_space<vmem>>
        %dma_wait3A_26 = arith.constant 0 : i32
        %dma_wait3A_27 = tpu.memref_slice %arg8[%dma_wait3A_26] : memref<10240xf32, #tpu.memory_space<vmem_shared>> -> memref<10240xf32, #tpu.memory_space<vmem_shared>>
        tpu.wait_indirect_dma semaphore(%run_scoped3A : memref<!tpu.dma_semaphore, #tpu.memory_space<semaphore_mem>>) src(%dma_wait3A_22 : memref<80xf32, #tpu.memory_space<vmem>>) dst(%dma_wait3A_27 : memref<10240xf32, #tpu.memory_space<vmem_shared>>)
        tpu.yield
      }) : () -> ()
    }
    %scan3A_7 = arith.constant 125 : i32
    %barrier3A_8 = arith.constant 0 : index
    tpu.barrier barrier_id(%barrier3A_8)
    %mul3A_9 = arith.constant 640 : i32
    %mul3A_10 = arith.muli %arg1, %mul3A_9 : i32
    %mul3A_11 = arith.constant 640 : i32
    %mul3A_12 = arith.muli %arg1, %mul3A_11 : i32
    "tpu.region"() ({
      %run_scoped3A = tpu.sem_alloc : memref<!tpu.dma_semaphore, #tpu.memory_space<semaphore_mem>>
      %dma_start3A = tpu.memref_slice %arg5[%arg0, %mul3A_12] : memref<2x10240xf32, #tpu.memory_space<hbm>> -> memref<1x640xf32, #tpu.memory_space<hbm>>
      %dma_start3A_13 = tpu.memref_squeeze %dma_start3A : memref<1x640xf32, #tpu.memory_space<hbm>> -> memref<640xf32, #tpu.memory_space<hbm>>
      %dma_start3A_14 = tpu.memref_slice %arg8[%mul3A_10] : memref<10240xf32, #tpu.memory_space<vmem_shared>> -> memref<640xf32, #tpu.memory_space<vmem_shared>>
      tpu.enqueue_dma source(%dma_start3A_14 : memref<640xf32, #tpu.memory_space<vmem_shared>>) target(%dma_start3A_13 : memref<640xf32, #tpu.memory_space<hbm>>) target_semaphore(%run_scoped3A : memref<!tpu.dma_semaphore, #tpu.memory_space<semaphore_mem>>)
      %dma_wait3A = tpu.memref_slice %arg5[%arg0, %mul3A_12] : memref<2x10240xf32, #tpu.memory_space<hbm>> -> memref<1x640xf32, #tpu.memory_space<hbm>>
      %dma_wait3A_15 = tpu.memref_squeeze %dma_wait3A : memref<1x640xf32, #tpu.memory_space<hbm>> -> memref<640xf32, #tpu.memory_space<hbm>>
      %dma_wait3A_16 = tpu.memref_slice %arg8[%mul3A_10] : memref<10240xf32, #tpu.memory_space<vmem_shared>> -> memref<640xf32, #tpu.memory_space<vmem_shared>>
      tpu.wait_dma2 semaphore(%run_scoped3A : memref<!tpu.dma_semaphore, #tpu.memory_space<semaphore_mem>>) src(%dma_wait3A_16 : memref<640xf32, #tpu.memory_space<vmem_shared>>) dst(%dma_wait3A_15 : memref<640xf32, #tpu.memory_space<hbm>>)
      tpu.yield
    }) : () -> ()
    return
  }
}

module attributes {stable_mosaic.version = 14 : i64} {
  func.func @_prep_body(%arg0: i32, %arg1: memref<2000x2xf32, #tpu.memory_space<vmem>>, %arg2: memref<2000x128xf32, #tpu.memory_space<vmem>>, %arg3: memref<128x128xf32, #tpu.memory_space<vmem>>, %arg4: memref<2000x128xf32, #tpu.memory_space<vmem>>, %arg5: memref<2000x1xf32, #tpu.memory_space<vmem>>) attributes {dimension_semantics = [#tpu.dimension_semantics<arbitrary>], iteration_bounds = array<i64: 5>, scalar_prefetch = 0 : i64, scratch_operands = 0 : i64, tpu.core_type = #tpu.core_type<tc>, window_params = [{transform_indices = @transform_0, window_bounds = array<i64: 2000, 2>}, {transform_indices = @transform_1, window_bounds = array<i64: 2000, 128>}, {pipeline_mode = #tpu.pipeline_mode<synchronous>, transform_indices = @transform_2, window_bounds = array<i64: 128, 128>}, {transform_indices = @transform_3, window_bounds = array<i64: 2000, 128>}, {transform_indices = @transform_4, window_bounds = array<i64: 2000, 1>}]} {
    %get3A = arith.constant 0 : index
    %get3A_0 = arith.constant 0 : index
    %get3A_1 = vector.load %arg1[%get3A, %get3A_0] : memref<2000x2xf32, #tpu.memory_space<vmem>>, vector<2000x1xf32>
    %add3A = arith.constant 1.000000e+00 : f32
    %add3A_2 = vector.broadcast %add3A : f32 to vector<2000x1xf32>
    %add3A_3 = arith.addf %add3A_2, %get3A_1 : vector<2000x1xf32>
    %get3A_4 = arith.constant 0 : index
    %get3A_5 = arith.constant 1 : index
    %get3A_6 = vector.load %arg1[%get3A_4, %get3A_5] : memref<2000x2xf32, #tpu.memory_space<vmem>>, vector<2000x1xf32>
    %add3A_7 = arith.addf %add3A_3, %get3A_6 : vector<2000x1xf32>
    %rsqrt3A = math.rsqrt %add3A_7 : vector<2000x1xf32>
    %get3A_8 = arith.constant 0 : index
    %get3A_9 = arith.constant 0 : index
    %get3A_10 = vector.load %arg2[%get3A_8, %get3A_9] : memref<2000x128xf32, #tpu.memory_space<vmem>>, vector<2000x128xf32>
    %get3A_11 = arith.constant 0 : index
    %get3A_12 = arith.constant 0 : index
    %get3A_13 = vector.load %arg3[%get3A_11, %get3A_12] : memref<128x128xf32, #tpu.memory_space<vmem>>, vector<128x128xf32>
    %dot_general3A = arith.constant dense<0.000000e+00> : vector<2000x128xf32>
    %dot_general3A_14 = tpu.matmul %get3A_10, %get3A_13, %dot_general3A {dimension_numbers = #tpu.dot_dimension_numbers<[1], [0], [0], [1], [0, 0, 1, 1], [], []>, transpose_lhs_hint = false} : vector<2000x128xf32>, vector<128x128xf32>, vector<2000x128xf32> -> vector<2000x128xf32>
    %mul3A = vector.broadcast %rsqrt3A : vector<2000x1xf32> to vector<2000x128xf32>
    %mul3A_15 = arith.mulf %mul3A, %dot_general3A_14 : vector<2000x128xf32>
    %swap3A = arith.constant 0 : index
    %swap3A_16 = arith.constant 0 : index
    %swap3A_17 = vector.load %arg4[%swap3A, %swap3A_16] : memref<2000x128xf32, #tpu.memory_space<vmem>>, vector<2000x128xf32>
    tpu.vector_store %arg4[%swap3A, %swap3A_16], %mul3A_15 {strides = array<i32>} : memref<2000x128xf32, #tpu.memory_space<vmem>>, vector<2000x128xf32>,
    %swap3A_18 = arith.constant 0 : index
    %swap3A_19 = arith.constant 0 : index
    %swap3A_20 = vector.load %arg5[%swap3A_18, %swap3A_19] : memref<2000x1xf32, #tpu.memory_space<vmem>>, vector<2000x1xf32>
    tpu.vector_store %arg5[%swap3A_18, %swap3A_19], %rsqrt3A {strides = array<i32>} : memref<2000x1xf32, #tpu.memory_space<vmem>>, vector<2000x1xf32>,
    return
  }
  func.func @transform_0(%arg0: i32) -> (i32, i32) {
    %c0_i32 = arith.constant 0 : i32
    %c0_i32_0 = arith.constant 0 : i32
    return %arg0, %c0_i32 : i32, i32
  }
  func.func @transform_1(%arg0: i32) -> (i32, i32) {
    %c0_i32 = arith.constant 0 : i32
    %c0_i32_0 = arith.constant 0 : i32
    return %arg0, %c0_i32 : i32, i32
  }
  func.func @transform_2(%arg0: i32) -> (i32, i32) {
    %c0_i32 = arith.constant 0 : i32
    %c0_i32_0 = arith.constant 0 : i32
    %c0_i32_1 = arith.constant 0 : i32
    return %c0_i32, %c0_i32_0 : i32, i32
  }
  func.func @transform_3(%arg0: i32) -> (i32, i32) {
    %c0_i32 = arith.constant 0 : i32
    %c0_i32_0 = arith.constant 0 : i32
    return %arg0, %c0_i32 : i32, i32
  }
  func.func @transform_4(%arg0: i32) -> (i32, i32) {
    %c0_i32 = arith.constant 0 : i32
    %c0_i32_0 = arith.constant 0 : i32
    return %arg0, %c0_i32 : i32, i32
  }
}

module attributes {stable_mosaic.version = 14 : i64} {
  func.func @_mid_body(%arg0: i32, %arg1: memref<2000x128xf32, #tpu.memory_space<vmem>>, %arg2: memref<2000x128xf32, #tpu.memory_space<vmem>>, %arg3: memref<2000x128xf32, #tpu.memory_space<vmem>>, %arg4: memref<2000x1xf32, #tpu.memory_space<vmem>>, %arg5: memref<1x128xf32, #tpu.memory_space<vmem>>, %arg6: memref<128x128xf32, #tpu.memory_space<vmem>>, %arg7: memref<2000x128xf32, #tpu.memory_space<vmem>>) attributes {dimension_semantics = [#tpu.dimension_semantics<arbitrary>], iteration_bounds = array<i64: 5>, scalar_prefetch = 0 : i64, scratch_operands = 0 : i64, tpu.core_type = #tpu.core_type<tc>, window_params = [{transform_indices = @transform_0, window_bounds = array<i64: 2000, 128>}, {transform_indices = @transform_1, window_bounds = array<i64: 2000, 128>}, {transform_indices = @transform_2, window_bounds = array<i64: 2000, 128>}, {transform_indices = @transform_3, window_bounds = array<i64: 2000, 1>}, {pipeline_mode = #tpu.pipeline_mode<synchronous>, transform_indices = @transform_4, window_bounds = array<i64: 1, 128>}, {pipeline_mode = #tpu.pipeline_mode<synchronous>, transform_indices = @transform_5, window_bounds = array<i64: 128, 128>}, {transform_indices = @transform_6, window_bounds = array<i64: 2000, 128>}]} {
    %get3A = arith.constant 0 : index
    %get3A_0 = arith.constant 0 : index
    %get3A_1 = vector.load %arg4[%get3A, %get3A_0] : memref<2000x1xf32, #tpu.memory_space<vmem>>, vector<2000x1xf32>
    %get3A_2 = arith.constant 0 : index
    %get3A_3 = arith.constant 0 : index
    %get3A_4 = vector.load %arg1[%get3A_2, %get3A_3] : memref<2000x128xf32, #tpu.memory_space<vmem>>, vector<2000x128xf32>
    %get3A_5 = arith.constant 0 : index
    %get3A_6 = arith.constant 0 : index
    %get3A_7 = vector.load %arg2[%get3A_5, %get3A_6] : memref<2000x128xf32, #tpu.memory_space<vmem>>, vector<2000x128xf32>
    %add3A = arith.addf %get3A_4, %get3A_7 : vector<2000x128xf32>
    %get3A_8 = arith.constant 0 : index
    %get3A_9 = arith.constant 0 : index
    %get3A_10 = vector.load %arg3[%get3A_8, %get3A_9] : memref<2000x128xf32, #tpu.memory_space<vmem>>, vector<2000x128xf32>
    %add3A_11 = arith.addf %add3A, %get3A_10 : vector<2000x128xf32>
    %mul3A = vector.broadcast %get3A_1 : vector<2000x1xf32> to vector<2000x128xf32>
    %mul3A_12 = arith.mulf %mul3A, %add3A_11 : vector<2000x128xf32>
    %get3A_13 = arith.constant 0 : index
    %get3A_14 = arith.constant 0 : index
    %get3A_15 = vector.load %arg5[%get3A_13, %get3A_14] : memref<1x128xf32, #tpu.memory_space<vmem>>, vector<1x128xf32>
    %add3A_16 = vector.broadcast %get3A_15 : vector<1x128xf32> to vector<2000x128xf32>
    %add3A_17 = arith.addf %mul3A_12, %add3A_16 : vector<2000x128xf32>
    %max3A = arith.constant 0.000000e+00 : f32
    %max3A_18 = vector.broadcast %max3A : f32 to vector<2000x128xf32>
    %max3A_19 = arith.maximumf %add3A_17, %max3A_18 : vector<2000x128xf32>
    %get3A_20 = arith.constant 0 : index
    %get3A_21 = arith.constant 0 : index
    %get3A_22 = vector.load %arg6[%get3A_20, %get3A_21] : memref<128x128xf32, #tpu.memory_space<vmem>>, vector<128x128xf32>
    %dot_general3A = arith.constant dense<0.000000e+00> : vector<2000x128xf32>
    %dot_general3A_23 = tpu.matmul %max3A_19, %get3A_22, %dot_general3A {dimension_numbers = #tpu.dot_dimension_numbers<[1], [0], [0], [1], [0, 0, 1, 1], [], []>, transpose_lhs_hint = false} : vector<2000x128xf32>, vector<128x128xf32>, vector<2000x128xf32> -> vector<2000x128xf32>
    %mul3A_24 = vector.broadcast %get3A_1 : vector<2000x1xf32> to vector<2000x128xf32>
    %mul3A_25 = arith.mulf %mul3A_24, %dot_general3A_23 : vector<2000x128xf32>
    %swap3A = arith.constant 0 : index
    %swap3A_26 = arith.constant 0 : index
    %swap3A_27 = vector.load %arg7[%swap3A, %swap3A_26] : memref<2000x128xf32, #tpu.memory_space<vmem>>, vector<2000x128xf32>
    tpu.vector_store %arg7[%swap3A, %swap3A_26], %mul3A_25 {strides = array<i32>} : memref<2000x128xf32, #tpu.memory_space<vmem>>, vector<2000x128xf32>,
    return
  }
  func.func @transform_0(%arg0: i32) -> (i32, i32) {
    %c0_i32 = arith.constant 0 : i32
    %c0_i32_0 = arith.constant 0 : i32
    return %arg0, %c0_i32 : i32, i32
  }
  func.func @transform_1(%arg0: i32) -> (i32, i32) {
    %c0_i32 = arith.constant 0 : i32
    %c0_i32_0 = arith.constant 0 : i32
    return %arg0, %c0_i32 : i32, i32
  }
  func.func @transform_2(%arg0: i32) -> (i32, i32) {
    %c0_i32 = arith.constant 0 : i32
    %c0_i32_0 = arith.constant 0 : i32
    return %arg0, %c0_i32 : i32, i32
  }
  func.func @transform_3(%arg0: i32) -> (i32, i32) {
    %c0_i32 = arith.constant 0 : i32
    %c0_i32_0 = arith.constant 0 : i32
    return %arg0, %c0_i32 : i32, i32
  }
  func.func @transform_4(%arg0: i32) -> (i32, i32) {
    %c0_i32 = arith.constant 0 : i32
    %c0_i32_0 = arith.constant 0 : i32
    %c0_i32_1 = arith.constant 0 : i32
    return %c0_i32, %c0_i32_0 : i32, i32
  }
  func.func @transform_5(%arg0: i32) -> (i32, i32) {
    %c0_i32 = arith.constant 0 : i32
    %c0_i32_0 = arith.constant 0 : i32
    %c0_i32_1 = arith.constant 0 : i32
    return %c0_i32, %c0_i32_0 : i32, i32
  }
  func.func @transform_6(%arg0: i32) -> (i32, i32) {
    %c0_i32 = arith.constant 0 : i32
    %c0_i32_0 = arith.constant 0 : i32
    return %arg0, %c0_i32 : i32, i32
  }
}

module attributes {stable_mosaic.version = 14 : i64} {
  func.func @_fin_body(%arg0: i32, %arg1: memref<2000x128xf32, #tpu.memory_space<vmem>>, %arg2: memref<2000x128xf32, #tpu.memory_space<vmem>>, %arg3: memref<2000x128xf32, #tpu.memory_space<vmem>>, %arg4: memref<2000x1xf32, #tpu.memory_space<vmem>>, %arg5: memref<1x128xf32, #tpu.memory_space<vmem>>, %arg6: memref<2000x128xf32, #tpu.memory_space<vmem>>) attributes {dimension_semantics = [#tpu.dimension_semantics<arbitrary>], iteration_bounds = array<i64: 5>, scalar_prefetch = 0 : i64, scratch_operands = 0 : i64, tpu.core_type = #tpu.core_type<tc>, window_params = [{transform_indices = @transform_0, window_bounds = array<i64: 2000, 128>}, {transform_indices = @transform_1, window_bounds = array<i64: 2000, 128>}, {transform_indices = @transform_2, window_bounds = array<i64: 2000, 128>}, {transform_indices = @transform_3, window_bounds = array<i64: 2000, 1>}, {pipeline_mode = #tpu.pipeline_mode<synchronous>, transform_indices = @transform_4, window_bounds = array<i64: 1, 128>}, {transform_indices = @transform_5, window_bounds = array<i64: 2000, 128>}]} {
    %get3A = arith.constant 0 : index
    %get3A_0 = arith.constant 0 : index
    %get3A_1 = vector.load %arg4[%get3A, %get3A_0] : memref<2000x1xf32, #tpu.memory_space<vmem>>, vector<2000x1xf32>
    %get3A_2 = arith.constant 0 : index
    %get3A_3 = arith.constant 0 : index
    %get3A_4 = vector.load %arg1[%get3A_2, %get3A_3] : memref<2000x128xf32, #tpu.memory_space<vmem>>, vector<2000x128xf32>
    %get3A_5 = arith.constant 0 : index
    %get3A_6 = arith.constant 0 : index
    %get3A_7 = vector.load %arg2[%get3A_5, %get3A_6] : memref<2000x128xf32, #tpu.memory_space<vmem>>, vector<2000x128xf32>
    %add3A = arith.addf %get3A_4, %get3A_7 : vector<2000x128xf32>
    %get3A_8 = arith.constant 0 : index
    %get3A_9 = arith.constant 0 : index
    %get3A_10 = vector.load %arg3[%get3A_8, %get3A_9] : memref<2000x128xf32, #tpu.memory_space<vmem>>, vector<2000x128xf32>
    %add3A_11 = arith.addf %add3A, %get3A_10 : vector<2000x128xf32>
    %mul3A = vector.broadcast %get3A_1 : vector<2000x1xf32> to vector<2000x128xf32>
    %mul3A_12 = arith.mulf %mul3A, %add3A_11 : vector<2000x128xf32>
    %get3A_13 = arith.constant 0 : index
    %get3A_14 = arith.constant 0 : index
    %get3A_15 = vector.load %arg5[%get3A_13, %get3A_14] : memref<1x128xf32, #tpu.memory_space<vmem>>, vector<1x128xf32>
    %add3A_16 = vector.broadcast %get3A_15 : vector<1x128xf32> to vector<2000x128xf32>
    %add3A_17 = arith.addf %mul3A_12, %add3A_16 : vector<2000x128xf32>
    %swap3A = arith.constant 0 : index
    %swap3A_18 = arith.constant 0 : index
    %swap3A_19 = vector.load %arg6[%swap3A, %swap3A_18] : memref<2000x128xf32, #tpu.memory_space<vmem>>, vector<2000x128xf32>
    tpu.vector_store %arg6[%swap3A, %swap3A_18], %add3A_17 {strides = array<i32>} : memref<2000x128xf32, #tpu.memory_space<vmem>>, vector<2000x128xf32>,
    return
  }
  func.func @transform_0(%arg0: i32) -> (i32, i32) {
    %c0_i32 = arith.constant 0 : i32
    %c0_i32_0 = arith.constant 0 : i32
    return %arg0, %c0_i32 : i32, i32
  }
  func.func @transform_1(%arg0: i32) -> (i32, i32) {
    %c0_i32 = arith.constant 0 : i32
    %c0_i32_0 = arith.constant 0 : i32
    return %arg0, %c0_i32 : i32, i32
  }
  func.func @transform_2(%arg0: i32) -> (i32, i32) {
    %c0_i32 = arith.constant 0 : i32
    %c0_i32_0 = arith.constant 0 : i32
    return %arg0, %c0_i32 : i32, i32
  }
  func.func @transform_3(%arg0: i32) -> (i32, i32) {
    %c0_i32 = arith.constant 0 : i32
    %c0_i32_0 = arith.constant 0 : i32
    return %arg0, %c0_i32 : i32, i32
  }
  func.func @transform_4(%arg0: i32) -> (i32, i32) {
    %c0_i32 = arith.constant 0 : i32
    %c0_i32_0 = arith.constant 0 : i32
    %c0_i32_1 = arith.constant 0 : i32
    return %c0_i32, %c0_i32_0 : i32, i32
  }
  func.func @transform_5(%arg0: i32) -> (i32, i32) {
    %c0_i32 = arith.constant 0 : i32
    %c0_i32_0 = arith.constant 0 : i32
    return %arg0, %c0_i32 : i32, i32
  }
}

</mosaic_0001>

<sc_bundles>
// kernel: kernel.11.cloned.1.call-start
scs
__scs_entry_jumppad:
0x0: {  	(pc) =	sbr.rel $0x88, $3  }
0x1: {  	(tag) =	ssettag $0x0;
	lr =	simm.s32 $0x1  }
0x2: {  	[smem:$0x3F9A] =	sst lr;
	_ =	strace $0xD0000000  }
0x3: {  	_ = 	snop  }
0x4: {  	_ = 	snop  }
0x5: {  	_ = 	snop  }
0x6: {  	_ = 	snop  }
0x7: {  	_ = 	snop  }
__scs_overlays_trampoline_lowered:
0x8: {  	[smem:$0x3FA9] =	sst s0  }
0x9: {  	[smem:$0x3FAA] =	sst s1  }
0xa: {  	[smem:$0x3FAB] =	sst s2  }
0xb: {  	[smem:$0x3FAC] =	sst s3  }
0xc: {  	[smem:$0x3FAD] =	sst s4  }
0xd: {  	[smem:$0x3FAE] =	sst s5  }
0xe: {  	[smem:$0x3FAF] =	sst s6  }
0xf: {  	[smem:$0x3FB0] =	sst s7  }
0x10: {  	[smem:$0x3FB1] =	sst s8  }
0x11: {  	[smem:$0x3FB2] =	sst s9;
	s0 =	simm.s32 @!p0 $0x0  }
0x12: {  	s1 =	sld [smem:$0x3F98];
	s0 =	simm.s32 @p0 $0x1  }
0x13: {  	[smem:$0x3FB3] =	sst s0;
	s0 =	simm.s32 @!p1 $0x0  }
0x14: {  	s2 =	sld [smem:$0x3F97];
	s0 =	simm.s32 @p1 $0x1  }
0x15: {  	[smem:$0x3FB4] =	sst s0;
	s0 =	simm.s32 @!p2 $0x0  }
0x16: {  	s3 =	sld [smem:$0x3FDB];
	s0 =	simm.s32 @p2 $0x1  }
0x17: {  	s4 =	simm.s32 $0x1BF5;
	[smem:$0x3FB6] =	sst s0  }
0x18: {  	s0 =	sld [smem:$0x3F99];
	_ =	swait.ge [sflag:s4], $0x0  }
0x19: {  	s7 =	sld [smem:$0x3F9A]  }
0x1a: {  	s8 =	sadd.s32 $0xFFFFE003, lr  }
0x1b: {  	s9 =	sadd.s32 $0xFFFFFEF7, lr;
	s5 =	simm.s32 $0xFFFFFFFF;
	p2 =	slt.u32 s8, $0xFFFFF086  }
0x1c: {  	p1 =	slt.u32 s9, $0xF7A;
	s5 =	simm.s32 @!p2 $0x0  }
0x1d: {  	s5 =	simm.s32 @p1 $0x1;
	p0 =	seq.s32 s7, s2  }
0x1e: {  	s7 =	smul.u32 @!p0 $0xF7A, s2;
	p2 =	seq.s32 @!p0 s5, $0x0  }
0x1f: {  	s9 =	smul.u32 $0xF7A, s1;
	s8 =	simm.s32 @!p0 $0x1BF5;
	p2 =	por !p2, p0  }
0x20: {  	[sflag:s8] =	ssyncset.s32 @!p0 $0xFFFFF086;
	s6 =	sadd.s32 @!p0 s3, s7;
	s7 =	simm.s32 @!p0 $0x108  }
0x21: {  	s3 =	sadd.s32 s3, s9;
	s6 =	sadd.s32 @!p0 $0x88, s6;
	s7 =	simm.s32 @p2 $0x1082  }
0x22: {  	[simem:s7], [sflag:s8] =	dma.local @!p0 [hbm:s6], $0xF7A  }
0x23: {  	s9 =	sor.u32 $0xD0000000, s2;
	s6 =	simm.s32 $0x108;
	_ =	swait.ge @!p0 [sflag:s8], $0x0  }
0x24: {  	s3 =	sadd.s32 $0x88, s3;
	s6 =	simm.s32 @!p1 $0x1082;
	[sflag:s4] =	ssyncset.s32 $0xFFFFF086  }
0x25: {  	[simem:s6], [sflag:s4] =	dma.local [hbm:s3], $0xF7A  }
0x26: {  	[smem:$0x3F9A] =	sst s1;
	(tag) =	ssettag s2;
	_ =	strace s9  }
0x27: {  	s1 =	sld [smem:$0x3FAA]  }
0x28: {  	s2 =	sld [smem:$0x3FAB]  }
0x29: {  	s4 =	sld [smem:$0x3FAD]  }
0x2a: {  	p0 =	seq.s32 s5, $0x0;
	s5 =	sld [smem:$0x3FAE]  }
0x2b: {  	s6 =	sld [smem:$0x3FAF]  }
0x2c: {  	s7 =	sld [smem:$0x3FB0]  }
0x2d: {  	s3 =	simm.s32 $0x108;
	s8 =	sld [smem:$0x3FB1]  }
0x2e: {  	s3 =	simm.s32 @!p0 $0x1082;
	s9 =	sld [smem:$0x3FB2]  }
0x2f: {  	lr =	sadd.s32 s0, s3;
	s0 =	sld [smem:$0x3FA9]  }
0x30: {  	s3 =	sld [smem:$0x3FAC]  }
0x31: {  	[smem:$0x3FB5] =	sst s10  }
0x32: {  	s10 =	sld [smem:$0x3FB3];
	_ =	sdelay $0x3  }
0x33: {  	p0 =	seq.s32 s10, $0x1;
	s10 =	sld [smem:$0x3FB5];
	_ =	sdelay $0x3  }
0x34: {  	[smem:$0x3FB5] =	sst s10  }
0x35: {  	s10 =	sld [smem:$0x3FB4];
	_ =	sdelay $0x3  }
0x36: {  	p1 =	seq.s32 s10, $0x1;
	s10 =	sld [smem:$0x3FB5];
	_ =	sdelay $0x3  }
0x37: {  	[smem:$0x3FB5] =	sst s10  }
0x38: {  	s10 =	sld [smem:$0x3FB6]  }
0x39: {  	_ = 	snop;
	(pc) =	sbr.ind lr, $3  }
0x3a: {  	_ = 	snop  }
0x3b: {  	_ = 	snop  }
0x3c: {  	p2 =	seq.s32 s10, $0x1;
	s10 =	sld [smem:$0x3FB5]  }
0x3d: {  	_ =	shalt  }
0x3e: {  	_ =	shalt  }
0x3f: {  	_ =	shalt  }
0x40: {  	_ =	shalt  }
0x41: {  	_ =	shalt  }
0x42: {  	_ =	shalt  }
0x43: {  	_ =	shalt  }
0x44: {  	_ =	shalt  }
0x45: {  	_ =	shalt  }
0x46: {  	_ =	shalt  }
0x47: {  	_ =	shalt  }
0x48: {  	_ =	shalt  }
0x49: {  	_ =	shalt  }
0x4a: {  	_ =	shalt  }
0x4b: {  	_ =	shalt  }
0x4c: {  	_ =	shalt  }
0x4d: {  	_ =	shalt  }
0x4e: {  	_ =	shalt  }
0x4f: {  	_ =	shalt  }
0x50: {  	_ =	shalt  }
0x51: {  	_ =	shalt  }
0x52: {  	_ =	shalt  }
0x53: {  	_ =	shalt  }
0x54: {  	_ =	shalt  }
0x55: {  	_ =	shalt  }
0x56: {  	_ =	shalt  }
0x57: {  	_ =	shalt  }
0x58: {  	_ =	shalt  }
0x59: {  	_ =	shalt  }
0x5a: {  	_ =	shalt  }
0x5b: {  	_ =	shalt  }
0x5c: {  	_ =	shalt  }
0x5d: {  	_ =	shalt  }
0x5e: {  	_ =	shalt  }
0x5f: {  	_ =	shalt  }
0x60: {  	_ =	shalt  }
0x61: {  	_ =	shalt  }
0x62: {  	_ =	shalt  }
0x63: {  	_ =	shalt  }
0x64: {  	_ =	shalt  }
0x65: {  	_ =	shalt  }
0x66: {  	_ =	shalt  }
0x67: {  	_ =	shalt  }
0x68: {  	_ =	shalt  }
0x69: {  	_ =	shalt  }
0x6a: {  	_ =	shalt  }
0x6b: {  	_ =	shalt  }
0x6c: {  	_ =	shalt  }
0x6d: {  	_ =	shalt  }
0x6e: {  	_ =	shalt  }
0x6f: {  	_ =	shalt  }
0x70: {  	_ =	shalt  }
0x71: {  	_ =	shalt  }
0x72: {  	_ =	shalt  }
0x73: {  	_ =	shalt  }
0x74: {  	_ =	shalt  }
0x75: {  	_ =	shalt  }
0x76: {  	_ =	shalt  }
0x77: {  	_ =	shalt  }
0x78: {  	_ =	shalt  }
0x79: {  	_ =	shalt  }
0x7a: {  	_ =	shalt  }
0x7b: {  	_ =	shalt  }
0x7c: {  	_ =	shalt  }
0x7d: {  	_ =	shalt  }
0x7e: {  	_ =	shalt  }
0x7f: {  	_ =	shalt  }
0x80: {  	_ =	shalt  }
0x81: {  	_ =	shalt  }
0x82: {  	_ =	shalt  }
0x83: {  	_ =	shalt  }
0x84: {  	_ =	shalt  }
0x85: {  	_ =	shalt  }
0x86: {  	_ =	shalt  }
0x87: {  	_ =	shalt  }
.Lfunc_end0:
.L_simem_size_0:
called_computation.1_lowered:
.L_overlay_start_0:
0x88: {  	s2 =	sld [smem:$0x3FD9]  }
0x89: {  	s3 =	sld [smem:$0x3FFE];
	_ =	sdelay $0x1  }
0x8a: {  	s1 =	srdreg.scid  }
0x8b: {  	s0 =	sand.u32 $0x1, s1  }
0x8c: {  	s17 =	sshll.u32 s0, $0xA;
	s2 =	sadd.s32 s3, s2  }
0x8d: {  	s2 =	sadd.s32 s2, s17  }
0x8e: {  	[smem:$0x3FC1] =	sst s2  }
0x8f: {  	_ = 	snop  }
0x90: {  	s2 =	sld [smem:$0x3FD0];
	(tm) =	ssettm $0x1  }
0x91: {  	s18 =	sld [smem:$0x3FFB];
	_ =	sdelay $0x3  }
0x92: {  	_ =	strace s18  }
0x93: {  	s3 =	sld [smem:$0x3FFC];
	_ =	sdelay $0x3  }
0x94: {  	_ =	strace s3  }
0x95: {  	s3 =	sld [smem:$0x3FFD];
	_ =	sdelay $0x3  }
0x96: {  	_ =	strace s3  }
0x97: {  	_ =	strace $0x8FFFFFFF  }
0x98: {  	s19 =	sld [smem:$0x3FDB];
	_ =	sdelay $0x1  }
0x99: {  	s4 =	simm.s32 $_scs_section_size  }
0x9a: {  	s5 =	simm.s32 $_size__tile_overlayer_lowered;
	s6 =	simm.s32 $_tile_overlayer_lowered  }
0x9b: {  	s22 =	simm.s32 $0x1BFF;
	s21 =	sshll.u32 s6, $0x1;
	s3 =	sadd.s32 s4, s19  }
0x9c: {  	s7 =	simm.s32 $0x0;
	s20 =	sshll.u32 s5, $0x1;
	s5 =	sadd.s32 s21, s3  }
0x9d: {  	[timem:s7], [sflag:s22] =	dma.local [hbm:s5], s20  }
0x9e: {  	_ =	swait.ge [sflag:s22], s20  }
0x9f: {  	s4 =	ssub.s32 $0x0, s20;
	[sflag:s22] =	ssyncset.done $0x0  }
0xa0: {  	[sflag:s22] =	ssyncadd.s32 s4;
	_ =	sdelay $0x1  }
0xa1: {  	s23 =	simm.s32 $0x1B8B  }
0xa2: {  	_ =	swait.ge [sflag:s23], $0x1  }
0xa3: {  	[sflag:s23] =	ssyncset.done $0x0  }
0xa4: {  	s25 =	simm.s32 $0x1B8E;
	s24 =	sld [smem:$0x3FFE];
	[sflag:s23] =	ssyncadd.s32 $0xFFFFFFFF  }
0xa5: {  	s26 =	simm.s32 $execute0_lowered;
	[smem:$0x3FD2] =	sst s25  }
0xa6: {  	s5 =	sshll.u32 s26, $0x1;
	_ =	strace $0x80000049;
	[dreg:$0x1] =	wrdreg $0xFFFFFFFF  }
0xa7: {  	s28 =	simm.s32 $_size_execute0_lowered;
	s3 =	sadd.s32 s3, s5;
	[dreg:$0x0] =	wrdreg $0x0  }
0xa8: {  	s5 =	sshll.u32 s28, $0x1;
	[dreg:$0x2] =	wrdreg s3  }
0xa9: {  	[dreg:$0x3] =	wrdreg s5  }
0xaa: {  	[dreg:$0x4] =	wrdreg $0xC0  }
0xab: {  	_ =	task [dreg:s7], $0x5FFFF  }
0xac: {  	[dreg:$0x1] =	wrdreg $0xFFFFFFFF  }
0xad: {  	[dreg:$0x0] =	wrdreg $0x60  }
0xae: {  	[dreg:$0x2] =	wrdreg s2  }
0xaf: {  	[dreg:$0x3] =	wrdreg s24  }
0xb0: {  	[dreg:$0x4] =	wrdreg $0x78000  }
0xb1: {  	[dreg:$0x5] =	wrdreg $0x9  }
0xb2: {  	_ =	task.clear_ibuf [dreg:s7], $0x6FFFF;
	_ =	strace $0x90000049  }
0xb3: {  	s29 =	simm.s32 $0x9;
	_ =	strace $0x8000004B  }
0xb4: {  	_ =	swait.ge [sflag:s29], $0x1  }
0xb5: {  	[sflag:s29] =	ssyncadd.s32 $0xFFFFFFFF  }
0xb6: {  	_ =	strace $0x9000004B  }
0xb7: {  	_ =	sfence  }
0xb8: {  	s30 =	sld [smem:$0x0];
	_ =	sdelay $0x2  }
0xb9: {  	s31 =	sshll.u32 s1, $0xD;
	s1 =	sshrl.u32 s1, $0x2  }
0xba: {  	s3 =	sand.u32 $0x4000, s31;
	s1 =	sadd.s32 s1, s30  }
0xbb: {  	s0 =	sor.u32 s3, s0;
	s1 =	sshll.u32 s1, $0x11  }
0xbc: {  	s0 =	sor.u32 s1, s0  }
0xbd: {  	s0 =	sadd.s32 $0x8F2B, s0  }
0xbe: {  	[sflag:s0] =	ssyncadd.remote.s32 $0x1  }
0xbf: {  	_ =	sfence.sel $0xFFFF  }
0xc0: {  	[dreg:$0x0] =	wrdreg $0xFFFFFFFF;
	(pc) =	sbr.abs _section_cstart, $3  }
0xc1: {  	[dreg:$0x1] =	wrdreg $0xFFFFFFFF  }
0xc2: {  	_ =	task.clear_ibuf [dreg:s7], $0x2FFFF;
	_ =	strace $0x9FFFFFFF  }
0xc3: {  	(tm) =	ssettm $0x7FFFFFFF  }
tec
execute0_lowered:
.L_overlay_start_1:
0x0: {  	(tag) =	ssettag $0x1  }
0x1: {  	s1 =	rddreg [dreg:$0x0]  }
0x2: {  	s7 =	rddreg [dreg:$0x1]  }
0x3: {  	s0 =	srdreg.scid;
	s3 =	rddreg [dreg:$0x2];
	s14 =	simm.s32 $0x400  }
0x4: {  	s15 =	simm.s32 $0x2780;
	s16 =	simm.s32 $0x50;
	s17 =	simm.s32 $0x4F00  }
0x5: {  	s18 =	simm.s32 $0x5000;
	s19 =	simm.s32 $0x4F80;
	s6 =	sand.u32 $0x1, s0  }
0x6: {  	s20 =	simm.s32 $0x0;
	s0 =	stileid.u32;
	s9 =	smul.u32 $0x140000, s6  }
0x7: {  	s2 =	sshll.u32 s6, $0x4;
	s8 =	sshll.u32 s0, $0x7;
	s26 =	smul.u32 $0x14000, s0  }
0x8: {  	s28 =	smul.u32 $0x50000, s0;
	s6 =	ssub.s32 $0x2, s6;
	s2 =	sor.u32 s0, s2  }
0x9: {  	s31 =	sshll.u32 s0, $0x6;
	s8 =	sand.u32 $0x380, s8;
	s4 =	sshrl.u32 s2, $0x3  }
0xa: {  	s29 =	sshrl.u32 s6, $0x1;
	s2 =	rddreg [dreg:$0x3];
	s5 =	smul.u32 $0x13C00, s4  }
0xb: {  	s30 =	sshrl.u32 s28, $0x2;
	s12 =	ssub.s32 s6, s29;
	s6 =	sor.u32 $0x1C01, s31  }
0xc: {  	s4 =	simm.s32 $0x0;
	s13 =	sadd.s32 s30, s3;
	s5 =	sor.u32 s8, s5  }
0xd: {  	[smem:$0x7FF] =	sst s4;
	s8 =	sadd.s32 s26, s9;
	s5 =	sshrl.u32 s5, $0x3  }
0xe: {  	_ =	strace $0x8000004A;
	s8 =	sshrl.u32 s8, $0x3;
	s10 =	sadd.s32 s5, s7  }
0xf: {  	s5 =	sadd.s32 $0x3600, s7;
	s11 =	sadd.s32 s8, s7;
	s7 =	sadd.s32 $0x1E000, s10  }
0x10: {  	s8 =	sadd.s32 $0x14200, s10;
	s9 =	sadd.s32 $0x4F000, s11;
	s10 =	smax.u32 s12, $0x1  }
0x11: {  	v0 =	vimm.s32 $0x0;
	s11 =	sshrl.u32 s13, $0x3;
	s12 =	simm.s32 $0x1;
	s13 =	simm.s32 $0x80  }
.LBB2_1:
0x12: {  	[spmem:s11], [sflag:s6] =	dma.local [hbm:s5], $0x2800  }
0x13: {  	_ =	swait.ge [sflag:s12], $0x2800  }
0x14: {  	[sflag:s12] =	ssyncset.done $0x0  }
0x15: {  	[sflag:s12] =	ssyncadd.s32 $0xFFFFD800  }
0x16: {  	[tilespmem:s4], [sflag:$0x1] =	stream.strided.gather [hbm4b:s7+s13], $0x2780, s14, s13, $0x38;
	[tilespmem:$0x1B800] =	vst v63  }
0x17: {  	_ =	swait.ge [sflag:s12], $0x2780  }
0x18: {  	[sflag:s12] =	ssyncset.done $0x0  }
0x19: {  	[sflag:s12] =	ssyncadd.s32 $0xFFFFD880  }
0x1a: {  	[tilespmem:s15], [sflag:$0x1] =	stream.strided.gather [hbm4b:s8+s13], $0x2780, s14, s13, $0x38;
	[tilespmem:$0x1B800] =	vst v63  }
0x1b: {  	_ =	swait.ge [sflag:s12], $0x2780  }
0x1c: {  	[sflag:s12] =	ssyncset.done $0x0  }
0x1d: {  	s21 =	simm.s32 $0x2781;
	[sflag:s12] =	ssyncadd.s32 $0xFFFFD880  }
0x1e: {  	s22 =	simm.s32 $0x0;
	s23 =	simm.s32 $0x0;
	[bflag:$0x0] =	sbarrier.arrive $0xFFFF  }
.LBB2_2:
0x1f: {  	v1 =	vmov s22;
	_ =	sdelay $0x3  }
0x20: {  	s24 =	simm.s32 $0x0  }
0x21: {  	v2 =	vld.idx.msk [tilespmem:v1+s24+$0x0 ss:$0x1], $0xffff  }
0x22: {  	s25 =	simm.s32 $0x40  }
.LBB2_3:
0x23: {  	p0 =	sne.s32 s25, $0x100  }
.Ltmp0:
0x24: {  	_ = 	snop;
	(pc) =	sbr.rel @p0 .LBB2_3-.Ltmp0, $4  }
0x25: {  	_ = 	snop  }
0x26: {  	s26 =	sshra.s32 s25, $0x2;
	v4 =	vshrl.u32 v2, $0x10  }
0x27: {  	v3 =	vand.u32 $0xFFFF, v2;
	v2 =	vld.idx.msk [tilespmem:v1+s26+$0x0 ss:$0x1], $0xffff;
	[tilespmem:s24+$0x4F80] =	vst v4  }
0x28: {  	s25 =	sadd.s32 $0x40, s25;
	[tilespmem:s24+$0x4F00] =	vst v3;
	s24 =	smov.u32 s26  }
0x29: {  	_ =	sdelay $0x2  }
0x2a: {  	v1 =	vshrl.u32 v2, $0x10  }
0x2b: {  	v2 =	vand.u32 $0xFFFF, v2;
	[tilespmem:s24+$0x4F80] =	vst v1  }
0x2c: {  	[tilespmem:s24+$0x4F00] =	vst v2  }
0x2d: {  	[tilespmem:s18], [sflag:$0x1] =	stream.indirect.gather [hbm4b:s1+s16], $0x80, s17, s16, $0xb8;
	[tilespmem:$0x1B800] =	vst v63  }
0x2e: {  	_ =	swait.ge [sflag:s12], $0x2800  }
0x2f: {  	[sflag:s12] =	ssyncset.done $0x0  }
0x30: {  	[sflag:s12] =	ssyncadd.s32 $0xFFFFD800  }
0x31: {  	v2 =	vld [tilespmem:s21+$0xFFFFFFFF]  }
0x32: {  	s24 =	simm.s32 $0x5080;
	v1 =	vld [tilespmem:s21+$0x0]  }
0x33: {  	v4 =	vld [tilespmem:s24+$0xFFFFFF80]  }
0x34: {  	v3 =	vld [tilespmem:s24+$0x70]  }
0x35: {  	v5 =	vld [tilespmem:s24+$0xFFFFFF90]  }
0x36: {  	v6 =	vld [tilespmem:s24+$0xFFFFFFA0];
	v7 =	vperm.xlane v2, v0  }
0x37: {  	v2 =	vld [tilespmem:s24+$0xFFFFFFB0];
	v1 =	vperm.xlane v1, v0  }
0x38: {  	v8 =	vld [tilespmem:s24+$0xFFFFFFC0];
	v4 =	vmul.f32 v4, v7  }
0x39: {  	v9 =	vld [tilespmem:s24+$0xFFFFFFD0];
	v3 =	vmul.f32 v3, v1  }
0x3a: {  	v10 =	vld [tilespmem:s24+$0xFFFFFFE0];
	v5 =	vmul.f32 v5, v7;
	[tilespmem:s24+$0xFFFFFF80] =	vst v4  }
0x3b: {  	[tilespmem:s24+$0x70] =	vst v3;
	v3 =	vmul.f32 v6, v7;
	v4 =	vld [tilespmem:s24+$0xFFFFFFF0]  }
0x3c: {  	[tilespmem:s24+$0xFFFFFF90] =	vst v5;
	v6 =	vld [tilespmem:s24+$0x0];
	v2 =	vmul.f32 v2, v7  }
0x3d: {  	v11 =	vld [tilespmem:s24+$0x10];
	[tilespmem:s24+$0xFFFFFFA0] =	vst v3;
	v3 =	vmul.f32 v8, v7  }
0x3e: {  	v5 =	vmul.f32 v9, v7;
	[tilespmem:s24+$0xFFFFFFB0] =	vst v2;
	v2 =	vld [tilespmem:s24+$0x20]  }
0x3f: {  	v8 =	vmul.f32 v10, v7;
	[tilespmem:s24+$0xFFFFFFC0] =	vst v3;
	v3 =	vld [tilespmem:s24+$0x30]  }
0x40: {  	[tilespmem:s24+$0xFFFFFFD0] =	vst v5;
	v7 =	vmul.f32 v4, v7;
	v4 =	vld [tilespmem:s24+$0x40]  }
0x41: {  	v5 =	vld [tilespmem:s24+$0x50];
	[tilespmem:s24+$0xFFFFFFE0] =	vst v8;
	v8 =	vmul.f32 v6, v1  }
0x42: {  	s26 =	simm.s32 $0x0;
	s28 =	sadd.s32 $0x2, s21;
	s25 =	simm.s32 $0x5080;
	v6 =	vld [tilespmem:s24+$0x60];
	[tilespmem:s24+$0xFFFFFFF0] =	vst v7;
	v7 =	vmul.f32 v11, v1  }
.LBB2_5:
0x43: {  	v9 =	vld [tilespmem:s28+$0x0];
	s26 =	sadd.s32 $0x2, s26;
	[tilespmem:s24+$0x0] =	vst v8;
	v2 =	vmul.f32 v2, v1  }
0x44: {  	s24 =	sadd.s32 $0x100, s24;
	v8 =	vld [tilespmem:s28+$0xFFFFFFFF];
	p0 =	slt.u32 s26, $0x4E;
	[tilespmem:s25+$0x10] =	vst v7;
	v3 =	vmul.f32 v3, v1  }
0x45: {  	v7 =	vld [tilespmem:s24+$0x70];
	[tilespmem:s25+$0x20] =	vst v2;
	v2 =	vmul.f32 v4, v1  }
0x46: {  	v4 =	vld [tilespmem:s24+$0xFFFFFF80];
	[tilespmem:s25+$0x30] =	vst v3;
	v3 =	vmul.f32 v5, v1  }
0x47: {  	v5 =	vld [tilespmem:s24+$0xFFFFFF90];
	[tilespmem:s25+$0x40] =	vst v2;
	v2 =	vmul.f32 v6, v1  }
0x48: {  	v6 =	vld [tilespmem:s24+$0xFFFFFFA0];
	v1 =	vperm.xlane v9, v0;
	[tilespmem:s25+$0x50] =	vst v3  }
0x49: {  	v8 =	vperm.xlane v8, v0;
	v3 =	vld [tilespmem:s24+$0xFFFFFFB0];
	[tilespmem:s25+$0x60] =	vst v2;
	s25 =	smov.u32 s24  }
0x4a: {  	v2 =	vld [tilespmem:s24+$0xFFFFFFC0];
	v7 =	vmul.f32 v7, v1  }
0x4b: {  	v4 =	vmul.f32 v4, v8;
	v9 =	vld [tilespmem:s24+$0xFFFFFFD0]  }
0x4c: {  	v5 =	vmul.f32 v5, v8;
	v10 =	vld [tilespmem:s24+$0xFFFFFFE0];
	[tilespmem:s24+$0x70] =	vst v7  }
0x4d: {  	[tilespmem:s24+$0xFFFFFF80] =	vst v4;
	v4 =	vmul.f32 v6, v8;
	v6 =	vld [tilespmem:s24+$0xFFFFFFF0]  }
0x4e: {  	[tilespmem:s24+$0xFFFFFF90] =	vst v5;
	v3 =	vmul.f32 v3, v8;
	v5 =	vld [tilespmem:s24+$0x0]  }
0x4f: {  	[tilespmem:s24+$0xFFFFFFA0] =	vst v4;
	v4 =	vmul.f32 v2, v8;
	v7 =	vld [tilespmem:s24+$0x10]  }
.Ltmp1:
0x50: {  	[tilespmem:s24+$0xFFFFFFB0] =	vst v3;
	v9 =	vmul.f32 v9, v8;
	v2 =	vld [tilespmem:s24+$0x20];
	(pc) =	sbr.rel @p0 .LBB2_5-.Ltmp1, $4  }
0x51: {  	[tilespmem:s24+$0xFFFFFFC0] =	vst v4;
	v10 =	vmul.f32 v10, v8;
	v3 =	vld [tilespmem:s24+$0x30]  }
0x52: {  	[tilespmem:s24+$0xFFFFFFD0] =	vst v9;
	v6 =	vmul.f32 v6, v8;
	v4 =	vld [tilespmem:s24+$0x40]  }
0x53: {  	[tilespmem:s24+$0xFFFFFFE0] =	vst v10;
	v8 =	vmul.f32 v5, v1;
	v5 =	vld [tilespmem:s24+$0x50]  }
0x54: {  	s28 =	sadd.s32 $0x2, s28;
	[tilespmem:s24+$0xFFFFFFF0] =	vst v6;
	v7 =	vmul.f32 v7, v1;
	v6 =	vld [tilespmem:s24+$0x60]  }
0x55: {  	[tilespmem:s24+$0x0] =	vst v8;
	v2 =	vmul.f32 v2, v1  }
0x56: {  	[tilespmem:s25+$0x10] =	vst v7;
	v3 =	vmul.f32 v3, v1  }
0x57: {  	[tilespmem:s25+$0x20] =	vst v2;
	v2 =	vmul.f32 v4, v1  }
0x58: {  	[tilespmem:s25+$0x30] =	vst v3;
	v3 =	vmul.f32 v5, v1  }
0x59: {  	s23 =	sadd.s32 $0x1, s23;
	[tilespmem:s25+$0x40] =	vst v2;
	v1 =	vmul.f32 v6, v1  }
0x5a: {  	p0 =	sne.s32 s23, $0x7D;
	[tilespmem:s25+$0x50] =	vst v3  }
.Ltmp2:
0x5b: {  	[tilespmem:s25+$0x60] =	vst v1;
	(pc) =	sbr.rel @p0 .LBB2_2-.Ltmp2, $4  }
0x5c: {  	[spmem:s3] =	stream.indirect.scatter.add.f32 [tilespmem:s18], [sflag:$0x1], $0x80, s19, s16, $0xb8;
	[tilespmem:$0x1B800] =	vst v63  }
0x5d: {  	_ =	swait.ge [sflag:s12], $0x2800  }
0x5e: {  	[sflag:s12] =	ssyncset.done $0x0  }
0x5f: {  	s22 =	sadd.s32 $0x50, s22;
	s21 =	sadd.s32 $0x50, s21;
	[sflag:s12] =	ssyncadd.s32 $0xFFFFD800  }
0x60: {  	s20 =	sadd.s32 $0x1, s20  }
0x61: {  	p0 =	sne.s32 s20, s10  }
.Ltmp3:
0x62: {  	[bflag:$0x0] =	sbarrier.arrive $0xFFFF;
	(pc) =	sbr.rel @p0 .LBB2_1-.Ltmp3, $4  }
0x63: {  	[hbm:s9], [sflag:s6] =	dma.local [spmem:s11], $0x2800  }
0x64: {  	_ =	swait.ge [sflag:s12], $0x2800  }
0x65: {  	[sflag:s12] =	ssyncset.done $0x0  }
0x66: {  	[sflag:s12] =	ssyncadd.s32 $0xFFFFD800  }
0x67: {  	_ =	sfence.sel $0x180000  }
0x68: {  	[bflag:$0x0] =	sbarrier.arrive $0xFFFF  }
0x69: {  	p0 =	sne.s32 s0, $0x0;
	_ =	strace $0x9000004A  }
0x6a: {  	s0 =	sadd.s32 @!p0 $0x100000, s2;
	[bflag:$0x2] =	sbarrier.arrive $0xFFFF  }
0x6b: {  	[sflag:s0] =	ssyncadd.tile.s32 @!p0 $0x1;
	_ =	shalt  }
.Lfunc_end2:
_tile_overlayer_lowered:
.L_overlay_start_2:
0x6c: {  	(tag) =	ssettag $0x2  }
0x6d: {  	s0 =	rddreg [dreg:$0x0];
	s2 =	stileid.u32  }
0x6e: {  	s1 =	rddreg [dreg:$0x1];
	p0 =	sne.s32 s2, $0x0  }
0x6f: {  	s3 =	rddreg [dreg:$0x2];
	[bflag:$0x3] =	sbarrier.arrive $0xFFFF;
	s2 =	simm.s32 @!p0 $0x1C01  }
0x70: {  	[timem:s3], [sflag:s2] =	dma.local @!p0 [hbm:s0], s1  }
0x71: {  	s0 =	simm.s32 @!p0 $0x1  }
0x72: {  	_ =	swait.ge @!p0 [sflag:s0], s1  }
0x73: {  	s1 =	ssub.s32 @!p0 $0x0, s1;
	[sflag:s0] =	ssyncset.done @!p0 $0x0  }
0x74: {  	[sflag:s0] =	ssyncadd.s32 @!p0 s1  }
0x75: {  	[bflag:$0x3] =	sbarrier.arrive $0xFFFF  }
0x76: {  	_ =	shalt  }

// kernel: kernel.14.cloned.1.call-start
scs
__scs_entry_jumppad:
0x0: {  	(pc) =	sbr.rel $0x88, $3  }
0x1: {  	(tag) =	ssettag $0x0;
	lr =	simm.s32 $0x1  }
0x2: {  	[smem:$0x3F9A] =	sst lr;
	_ =	strace $0xD0000000  }
0x3: {  	_ = 	snop  }
0x4: {  	_ = 	snop  }
0x5: {  	_ = 	snop  }
0x6: {  	_ = 	snop  }
0x7: {  	_ = 	snop  }
__scs_overlays_trampoline_lowered:
0x8: {  	[smem:$0x3FA9] =	sst s0  }
0x9: {  	[smem:$0x3FAA] =	sst s1  }
0xa: {  	[smem:$0x3FAB] =	sst s2  }
0xb: {  	[smem:$0x3FAC] =	sst s3  }
0xc: {  	[smem:$0x3FAD] =	sst s4  }
0xd: {  	[smem:$0x3FAE] =	sst s5  }
0xe: {  	[smem:$0x3FAF] =	sst s6  }
0xf: {  	[smem:$0x3FB0] =	sst s7  }
0x10: {  	[smem:$0x3FB1] =	sst s8  }
0x11: {  	[smem:$0x3FB2] =	sst s9;
	s0 =	simm.s32 @!p0 $0x0  }
0x12: {  	s1 =	sld [smem:$0x3F98];
	s0 =	simm.s32 @p0 $0x1  }
0x13: {  	[smem:$0x3FB3] =	sst s0;
	s0 =	simm.s32 @!p1 $0x0  }
0x14: {  	s2 =	sld [smem:$0x3F97];
	s0 =	simm.s32 @p1 $0x1  }
0x15: {  	[smem:$0x3FB4] =	sst s0;
	s0 =	simm.s32 @!p2 $0x0  }
0x16: {  	s3 =	sld [smem:$0x3FDB];
	s0 =	simm.s32 @p2 $0x1  }
0x17: {  	s4 =	simm.s32 $0x1BF5;
	[smem:$0x3FB6] =	sst s0  }
0x18: {  	s0 =	sld [smem:$0x3F99];
	_ =	swait.ge [sflag:s4], $0x0  }
0x19: {  	s7 =	sld [smem:$0x3F9A]  }
0x1a: {  	s8 =	sadd.s32 $0xFFFFE003, lr  }
0x1b: {  	s9 =	sadd.s32 $0xFFFFFEF7, lr;
	s5 =	simm.s32 $0xFFFFFFFF;
	p2 =	slt.u32 s8, $0xFFFFF086  }
0x1c: {  	p1 =	slt.u32 s9, $0xF7A;
	s5 =	simm.s32 @!p2 $0x0  }
0x1d: {  	s5 =	simm.s32 @p1 $0x1;
	p0 =	seq.s32 s7, s2  }
0x1e: {  	s7 =	smul.u32 @!p0 $0xF7A, s2;
	p2 =	seq.s32 @!p0 s5, $0x0  }
0x1f: {  	s9 =	smul.u32 $0xF7A, s1;
	s8 =	simm.s32 @!p0 $0x1BF5;
	p2 =	por !p2, p0  }
0x20: {  	[sflag:s8] =	ssyncset.s32 @!p0 $0xFFFFF086;
	s6 =	sadd.s32 @!p0 s3, s7;
	s7 =	simm.s32 @!p0 $0x108  }
0x21: {  	s3 =	sadd.s32 s3, s9;
	s6 =	sadd.s32 @!p0 $0x88, s6;
	s7 =	simm.s32 @p2 $0x1082  }
0x22: {  	[simem:s7], [sflag:s8] =	dma.local @!p0 [hbm:s6], $0xF7A  }
0x23: {  	s9 =	sor.u32 $0xD0000000, s2;
	s6 =	simm.s32 $0x108;
	_ =	swait.ge @!p0 [sflag:s8], $0x0  }
0x24: {  	s3 =	sadd.s32 $0x88, s3;
	s6 =	simm.s32 @!p1 $0x1082;
	[sflag:s4] =	ssyncset.s32 $0xFFFFF086  }
0x25: {  	[simem:s6], [sflag:s4] =	dma.local [hbm:s3], $0xF7A  }
0x26: {  	[smem:$0x3F9A] =	sst s1;
	(tag) =	ssettag s2;
	_ =	strace s9  }
0x27: {  	s1 =	sld [smem:$0x3FAA]  }
0x28: {  	s2 =	sld [smem:$0x3FAB]  }
0x29: {  	s4 =	sld [smem:$0x3FAD]  }
0x2a: {  	p0 =	seq.s32 s5, $0x0;
	s5 =	sld [smem:$0x3FAE]  }
0x2b: {  	s6 =	sld [smem:$0x3FAF]  }
0x2c: {  	s7 =	sld [smem:$0x3FB0]  }
0x2d: {  	s3 =	simm.s32 $0x108;
	s8 =	sld [smem:$0x3FB1]  }
0x2e: {  	s3 =	simm.s32 @!p0 $0x1082;
	s9 =	sld [smem:$0x3FB2]  }
0x2f: {  	lr =	sadd.s32 s0, s3;
	s0 =	sld [smem:$0x3FA9]  }
0x30: {  	s3 =	sld [smem:$0x3FAC]  }
0x31: {  	[smem:$0x3FB5] =	sst s10  }
0x32: {  	s10 =	sld [smem:$0x3FB3];
	_ =	sdelay $0x3  }
0x33: {  	p0 =	seq.s32 s10, $0x1;
	s10 =	sld [smem:$0x3FB5];
	_ =	sdelay $0x3  }
0x34: {  	[smem:$0x3FB5] =	sst s10  }
0x35: {  	s10 =	sld [smem:$0x3FB4];
	_ =	sdelay $0x3  }
0x36: {  	p1 =	seq.s32 s10, $0x1;
	s10 =	sld [smem:$0x3FB5];
	_ =	sdelay $0x3  }
0x37: {  	[smem:$0x3FB5] =	sst s10  }
0x38: {  	s10 =	sld [smem:$0x3FB6]  }
0x39: {  	_ = 	snop;
	(pc) =	sbr.ind lr, $3  }
0x3a: {  	_ = 	snop  }
0x3b: {  	_ = 	snop  }
0x3c: {  	p2 =	seq.s32 s10, $0x1;
	s10 =	sld [smem:$0x3FB5]  }
0x3d: {  	_ =	shalt  }
0x3e: {  	_ =	shalt  }
0x3f: {  	_ =	shalt  }
0x40: {  	_ =	shalt  }
0x41: {  	_ =	shalt  }
0x42: {  	_ =	shalt  }
0x43: {  	_ =	shalt  }
0x44: {  	_ =	shalt  }
0x45: {  	_ =	shalt  }
0x46: {  	_ =	shalt  }
0x47: {  	_ =	shalt  }
0x48: {  	_ =	shalt  }
0x49: {  	_ =	shalt  }
0x4a: {  	_ =	shalt  }
0x4b: {  	_ =	shalt  }
0x4c: {  	_ =	shalt  }
0x4d: {  	_ =	shalt  }
0x4e: {  	_ =	shalt  }
0x4f: {  	_ =	shalt  }
0x50: {  	_ =	shalt  }
0x51: {  	_ =	shalt  }
0x52: {  	_ =	shalt  }
0x53: {  	_ =	shalt  }
0x54: {  	_ =	shalt  }
0x55: {  	_ =	shalt  }
0x56: {  	_ =	shalt  }
0x57: {  	_ =	shalt  }
0x58: {  	_ =	shalt  }
0x59: {  	_ =	shalt  }
0x5a: {  	_ =	shalt  }
0x5b: {  	_ =	shalt  }
0x5c: {  	_ =	shalt  }
0x5d: {  	_ =	shalt  }
0x5e: {  	_ =	shalt  }
0x5f: {  	_ =	shalt  }
0x60: {  	_ =	shalt  }
0x61: {  	_ =	shalt  }
0x62: {  	_ =	shalt  }
0x63: {  	_ =	shalt  }
0x64: {  	_ =	shalt  }
0x65: {  	_ =	shalt  }
0x66: {  	_ =	shalt  }
0x67: {  	_ =	shalt  }
0x68: {  	_ =	shalt  }
0x69: {  	_ =	shalt  }
0x6a: {  	_ =	shalt  }
0x6b: {  	_ =	shalt  }
0x6c: {  	_ =	shalt  }
0x6d: {  	_ =	shalt  }
0x6e: {  	_ =	shalt  }
0x6f: {  	_ =	shalt  }
0x70: {  	_ =	shalt  }
0x71: {  	_ =	shalt  }
0x72: {  	_ =	shalt  }
0x73: {  	_ =	shalt  }
0x74: {  	_ =	shalt  }
0x75: {  	_ =	shalt  }
0x76: {  	_ =	shalt  }
0x77: {  	_ =	shalt  }
0x78: {  	_ =	shalt  }
0x79: {  	_ =	shalt  }
0x7a: {  	_ =	shalt  }
0x7b: {  	_ =	shalt  }
0x7c: {  	_ =	shalt  }
0x7d: {  	_ =	shalt  }
0x7e: {  	_ =	shalt  }
0x7f: {  	_ =	shalt  }
0x80: {  	_ =	shalt  }
0x81: {  	_ =	shalt  }
0x82: {  	_ =	shalt  }
0x83: {  	_ =	shalt  }
0x84: {  	_ =	shalt  }
0x85: {  	_ =	shalt  }
0x86: {  	_ =	shalt  }
0x87: {  	_ =	shalt  }
.Lfunc_end0:
.L_simem_size_0:
called_computation.2_lowered:
.L_overlay_start_0:
0x88: {  	s2 =	sld [smem:$0x3FD9]  }
0x89: {  	s3 =	sld [smem:$0x3FFE];
	_ =	sdelay $0x1  }
0x8a: {  	s1 =	srdreg.scid  }
0x8b: {  	s0 =	sand.u32 $0x1, s1  }
0x8c: {  	s17 =	sshll.u32 s0, $0xA;
	s2 =	sadd.s32 s3, s2  }
0x8d: {  	s2 =	sadd.s32 s2, s17  }
0x8e: {  	[smem:$0x3FC1] =	sst s2  }
0x8f: {  	_ = 	snop  }
0x90: {  	s2 =	sld [smem:$0x3FD0];
	(tm) =	ssettm $0x1  }
0x91: {  	s18 =	sld [smem:$0x3FFB];
	_ =	sdelay $0x3  }
0x92: {  	_ =	strace s18  }
0x93: {  	s3 =	sld [smem:$0x3FFC];
	_ =	sdelay $0x3  }
0x94: {  	_ =	strace s3  }
0x95: {  	s3 =	sld [smem:$0x3FFD];
	_ =	sdelay $0x3  }
0x96: {  	_ =	strace s3  }
0x97: {  	_ =	strace $0x8FFFFFFF  }
0x98: {  	s19 =	sld [smem:$0x3FDB];
	_ =	sdelay $0x1  }
0x99: {  	s4 =	simm.s32 $_scs_section_size  }
0x9a: {  	s5 =	simm.s32 $_size__tile_overlayer_lowered;
	s6 =	simm.s32 $_tile_overlayer_lowered  }
0x9b: {  	s22 =	simm.s32 $0x1BFF;
	s21 =	sshll.u32 s6, $0x1;
	s3 =	sadd.s32 s4, s19  }
0x9c: {  	s7 =	simm.s32 $0x0;
	s20 =	sshll.u32 s5, $0x1;
	s5 =	sadd.s32 s21, s3  }
0x9d: {  	[timem:s7], [sflag:s22] =	dma.local [hbm:s5], s20  }
0x9e: {  	_ =	swait.ge [sflag:s22], s20  }
0x9f: {  	s4 =	ssub.s32 $0x0, s20;
	[sflag:s22] =	ssyncset.done $0x0  }
0xa0: {  	[sflag:s22] =	ssyncadd.s32 s4;
	_ =	sdelay $0x1  }
0xa1: {  	s23 =	simm.s32 $0x1B8B  }
0xa2: {  	_ =	swait.ge [sflag:s23], $0x1  }
0xa3: {  	[sflag:s23] =	ssyncset.done $0x0  }
0xa4: {  	s25 =	simm.s32 $0x1B8E;
	s24 =	sld [smem:$0x3FFE];
	[sflag:s23] =	ssyncadd.s32 $0xFFFFFFFF  }
0xa5: {  	s26 =	simm.s32 $execute0_lowered;
	[smem:$0x3FD2] =	sst s25  }
0xa6: {  	s5 =	sshll.u32 s26, $0x1;
	_ =	strace $0x8000004C;
	[dreg:$0x1] =	wrdreg $0xFFFFFFFF  }
0xa7: {  	s28 =	simm.s32 $_size_execute0_lowered;
	s3 =	sadd.s32 s3, s5;
	[dreg:$0x0] =	wrdreg $0x0  }
0xa8: {  	s5 =	sshll.u32 s28, $0x1;
	[dreg:$0x2] =	wrdreg s3  }
0xa9: {  	[dreg:$0x3] =	wrdreg s5  }
0xaa: {  	[dreg:$0x4] =	wrdreg $0xC0  }
0xab: {  	_ =	task [dreg:s7], $0x5FFFF  }
0xac: {  	[dreg:$0x1] =	wrdreg $0xFFFFFFFF  }
0xad: {  	[dreg:$0x0] =	wrdreg $0x60  }
0xae: {  	[dreg:$0x2] =	wrdreg s2  }
0xaf: {  	[dreg:$0x3] =	wrdreg s24  }
0xb0: {  	[dreg:$0x4] =	wrdreg $0x78000  }
0xb1: {  	[dreg:$0x5] =	wrdreg $0x9  }
0xb2: {  	_ =	task.clear_ibuf [dreg:s7], $0x6FFFF;
	_ =	strace $0x9000004C  }
0xb3: {  	s29 =	simm.s32 $0x9;
	_ =	strace $0x8000004E  }
0xb4: {  	_ =	swait.ge [sflag:s29], $0x1  }
0xb5: {  	[sflag:s29] =	ssyncadd.s32 $0xFFFFFFFF  }
0xb6: {  	_ =	strace $0x9000004E  }
0xb7: {  	_ =	sfence  }
0xb8: {  	s30 =	sld [smem:$0x0];
	_ =	sdelay $0x2  }
0xb9: {  	s31 =	sshll.u32 s1, $0xD;
	s1 =	sshrl.u32 s1, $0x2  }
0xba: {  	s3 =	sand.u32 $0x4000, s31;
	s1 =	sadd.s32 s1, s30  }
0xbb: {  	s0 =	sor.u32 s3, s0;
	s1 =	sshll.u32 s1, $0x11  }
0xbc: {  	s0 =	sor.u32 s1, s0  }
0xbd: {  	s0 =	sadd.s32 $0x8F2B, s0  }
0xbe: {  	[sflag:s0] =	ssyncadd.remote.s32 $0x1  }
0xbf: {  	_ =	sfence.sel $0xFFFF  }
0xc0: {  	[dreg:$0x0] =	wrdreg $0xFFFFFFFF;
	(pc) =	sbr.abs _section_cstart, $3  }
0xc1: {  	[dreg:$0x1] =	wrdreg $0xFFFFFFFF  }
0xc2: {  	_ =	task.clear_ibuf [dreg:s7], $0x2FFFF;
	_ =	strace $0x9FFFFFFF  }
0xc3: {  	(tm) =	ssettm $0x7FFFFFFF  }
tec
execute0_lowered:
.L_overlay_start_1:
0x0: {  	(tag) =	ssettag $0x1  }
0x1: {  	s1 =	rddreg [dreg:$0x0]  }
0x2: {  	s7 =	rddreg [dreg:$0x1]  }
0x3: {  	s0 =	srdreg.scid;
	s3 =	rddreg [dreg:$0x2];
	s14 =	simm.s32 $0x400  }
0x4: {  	s15 =	simm.s32 $0x2780;
	s16 =	simm.s32 $0x50;
	s17 =	simm.s32 $0x4F00  }
0x5: {  	s18 =	simm.s32 $0x5000;
	s19 =	simm.s32 $0x4F80;
	s6 =	sand.u32 $0x1, s0  }
0x6: {  	s20 =	simm.s32 $0x0;
	s0 =	stileid.u32;
	s9 =	smul.u32 $0x140000, s6  }
0x7: {  	s2 =	sshll.u32 s6, $0x4;
	s8 =	sshll.u32 s0, $0x7;
	s26 =	smul.u32 $0x14000, s0  }
0x8: {  	s28 =	smul.u32 $0x50000, s0;
	s6 =	ssub.s32 $0x2, s6;
	s2 =	sor.u32 s0, s2  }
0x9: {  	s31 =	sshll.u32 s0, $0x6;
	s8 =	sand.u32 $0x380, s8;
	s4 =	sshrl.u32 s2, $0x3  }
0xa: {  	s29 =	sshrl.u32 s6, $0x1;
	s2 =	rddreg [dreg:$0x3];
	s5 =	smul.u32 $0x13C00, s4  }
0xb: {  	s30 =	sshrl.u32 s28, $0x2;
	s12 =	ssub.s32 s6, s29;
	s6 =	sor.u32 $0x1C01, s31  }
0xc: {  	s4 =	simm.s32 $0x0;
	s13 =	sadd.s32 s30, s3;
	s5 =	sor.u32 s8, s5  }
0xd: {  	[smem:$0x7FF] =	sst s4;
	s8 =	sadd.s32 s26, s9;
	s5 =	sshrl.u32 s5, $0x3  }
0xe: {  	_ =	strace $0x8000004D;
	s8 =	sshrl.u32 s8, $0x3;
	s10 =	sadd.s32 s5, s7  }
0xf: {  	s5 =	sadd.s32 $0x3600, s7;
	s11 =	sadd.s32 s8, s7;
	s7 =	sadd.s32 $0x1E000, s10  }
0x10: {  	s8 =	sadd.s32 $0x14200, s10;
	s9 =	sadd.s32 $0x4F000, s11;
	s10 =	smax.u32 s12, $0x1  }
0x11: {  	v0 =	vimm.s32 $0x0;
	s11 =	sshrl.u32 s13, $0x3;
	s12 =	simm.s32 $0x1;
	s13 =	simm.s32 $0x80  }
.LBB2_1:
0x12: {  	[spmem:s11], [sflag:s6] =	dma.local [hbm:s5], $0x2800  }
0x13: {  	_ =	swait.ge [sflag:s12], $0x2800  }
0x14: {  	[sflag:s12] =	ssyncset.done $0x0  }
0x15: {  	[sflag:s12] =	ssyncadd.s32 $0xFFFFD800  }
0x16: {  	[tilespmem:s4], [sflag:$0x1] =	stream.strided.gather [hbm4b:s7+s13], $0x2780, s14, s13, $0x38;
	[tilespmem:$0x1B800] =	vst v63  }
0x17: {  	_ =	swait.ge [sflag:s12], $0x2780  }
0x18: {  	[sflag:s12] =	ssyncset.done $0x0  }
0x19: {  	[sflag:s12] =	ssyncadd.s32 $0xFFFFD880  }
0x1a: {  	[tilespmem:s15], [sflag:$0x1] =	stream.strided.gather [hbm4b:s8+s13], $0x2780, s14, s13, $0x38;
	[tilespmem:$0x1B800] =	vst v63  }
0x1b: {  	_ =	swait.ge [sflag:s12], $0x2780  }
0x1c: {  	[sflag:s12] =	ssyncset.done $0x0  }
0x1d: {  	s21 =	simm.s32 $0x2781;
	[sflag:s12] =	ssyncadd.s32 $0xFFFFD880  }
0x1e: {  	s22 =	simm.s32 $0x0;
	s23 =	simm.s32 $0x0;
	[bflag:$0x0] =	sbarrier.arrive $0xFFFF  }
.LBB2_2:
0x1f: {  	v1 =	vmov s22;
	_ =	sdelay $0x3  }
0x20: {  	s24 =	simm.s32 $0x0  }
0x21: {  	v2 =	vld.idx.msk [tilespmem:v1+s24+$0x0 ss:$0x1], $0xffff  }
0x22: {  	s25 =	simm.s32 $0x40  }
.LBB2_3:
0x23: {  	p0 =	sne.s32 s25, $0x100  }
.Ltmp0:
0x24: {  	_ = 	snop;
	(pc) =	sbr.rel @p0 .LBB2_3-.Ltmp0, $4  }
0x25: {  	_ = 	snop  }
0x26: {  	s26 =	sshra.s32 s25, $0x2;
	v4 =	vshrl.u32 v2, $0x10  }
0x27: {  	v3 =	vand.u32 $0xFFFF, v2;
	v2 =	vld.idx.msk [tilespmem:v1+s26+$0x0 ss:$0x1], $0xffff;
	[tilespmem:s24+$0x4F80] =	vst v4  }
0x28: {  	s25 =	sadd.s32 $0x40, s25;
	[tilespmem:s24+$0x4F00] =	vst v3;
	s24 =	smov.u32 s26  }
0x29: {  	_ =	sdelay $0x2  }
0x2a: {  	v1 =	vshrl.u32 v2, $0x10  }
0x2b: {  	v2 =	vand.u32 $0xFFFF, v2;
	[tilespmem:s24+$0x4F80] =	vst v1  }
0x2c: {  	[tilespmem:s24+$0x4F00] =	vst v2  }
0x2d: {  	[tilespmem:s18], [sflag:$0x1] =	stream.indirect.gather [hbm4b:s1+s16], $0x80, s17, s16, $0xb8;
	[tilespmem:$0x1B800] =	vst v63  }
0x2e: {  	_ =	swait.ge [sflag:s12], $0x2800  }
0x2f: {  	[sflag:s12] =	ssyncset.done $0x0  }
0x30: {  	[sflag:s12] =	ssyncadd.s32 $0xFFFFD800  }
0x31: {  	v2 =	vld [tilespmem:s21+$0xFFFFFFFF]  }
0x32: {  	s24 =	simm.s32 $0x5080;
	v1 =	vld [tilespmem:s21+$0x0]  }
0x33: {  	v4 =	vld [tilespmem:s24+$0xFFFFFF80]  }
0x34: {  	v3 =	vld [tilespmem:s24+$0x70]  }
0x35: {  	v5 =	vld [tilespmem:s24+$0xFFFFFF90]  }
0x36: {  	v6 =	vld [tilespmem:s24+$0xFFFFFFA0];
	v7 =	vperm.xlane v2, v0  }
0x37: {  	v2 =	vld [tilespmem:s24+$0xFFFFFFB0];
	v1 =	vperm.xlane v1, v0  }
0x38: {  	v8 =	vld [tilespmem:s24+$0xFFFFFFC0];
	v4 =	vmul.f32 v4, v7  }
0x39: {  	v9 =	vld [tilespmem:s24+$0xFFFFFFD0];
	v3 =	vmul.f32 v3, v1  }
0x3a: {  	v10 =	vld [tilespmem:s24+$0xFFFFFFE0];
	v5 =	vmul.f32 v5, v7;
	[tilespmem:s24+$0xFFFFFF80] =	vst v4  }
0x3b: {  	[tilespmem:s24+$0x70] =	vst v3;
	v3 =	vmul.f32 v6, v7;
	v4 =	vld [tilespmem:s24+$0xFFFFFFF0]  }
0x3c: {  	[tilespmem:s24+$0xFFFFFF90] =	vst v5;
	v6 =	vld [tilespmem:s24+$0x0];
	v2 =	vmul.f32 v2, v7  }
0x3d: {  	v11 =	vld [tilespmem:s24+$0x10];
	[tilespmem:s24+$0xFFFFFFA0] =	vst v3;
	v3 =	vmul.f32 v8, v7  }
0x3e: {  	v5 =	vmul.f32 v9, v7;
	[tilespmem:s24+$0xFFFFFFB0] =	vst v2;
	v2 =	vld [tilespmem:s24+$0x20]  }
0x3f: {  	v8 =	vmul.f32 v10, v7;
	[tilespmem:s24+$0xFFFFFFC0] =	vst v3;
	v3 =	vld [tilespmem:s24+$0x30]  }
0x40: {  	[tilespmem:s24+$0xFFFFFFD0] =	vst v5;
	v7 =	vmul.f32 v4, v7;
	v4 =	vld [tilespmem:s24+$0x40]  }
0x41: {  	v5 =	vld [tilespmem:s24+$0x50];
	[tilespmem:s24+$0xFFFFFFE0] =	vst v8;
	v8 =	vmul.f32 v6, v1  }
0x42: {  	s26 =	simm.s32 $0x0;
	s28 =	sadd.s32 $0x2, s21;
	s25 =	simm.s32 $0x5080;
	v6 =	vld [tilespmem:s24+$0x60];
	[tilespmem:s24+$0xFFFFFFF0] =	vst v7;
	v7 =	vmul.f32 v11, v1  }
.LBB2_5:
0x43: {  	v9 =	vld [tilespmem:s28+$0x0];
	s26 =	sadd.s32 $0x2, s26;
	[tilespmem:s24+$0x0] =	vst v8;
	v2 =	vmul.f32 v2, v1  }
0x44: {  	s24 =	sadd.s32 $0x100, s24;
	v8 =	vld [tilespmem:s28+$0xFFFFFFFF];
	p0 =	slt.u32 s26, $0x4E;
	[tilespmem:s25+$0x10] =	vst v7;
	v3 =	vmul.f32 v3, v1  }
0x45: {  	v7 =	vld [tilespmem:s24+$0x70];
	[tilespmem:s25+$0x20] =	vst v2;
	v2 =	vmul.f32 v4, v1  }
0x46: {  	v4 =	vld [tilespmem:s24+$0xFFFFFF80];
	[tilespmem:s25+$0x30] =	vst v3;
	v3 =	vmul.f32 v5, v1  }
0x47: {  	v5 =	vld [tilespmem:s24+$0xFFFFFF90];
	[tilespmem:s25+$0x40] =	vst v2;
	v2 =	vmul.f32 v6, v1  }
0x48: {  	v6 =	vld [tilespmem:s24+$0xFFFFFFA0];
	v1 =	vperm.xlane v9, v0;
	[tilespmem:s25+$0x50] =	vst v3  }
0x49: {  	v8 =	vperm.xlane v8, v0;
	v3 =	vld [tilespmem:s24+$0xFFFFFFB0];
	[tilespmem:s25+$0x60] =	vst v2;
	s25 =	smov.u32 s24  }
0x4a: {  	v2 =	vld [tilespmem:s24+$0xFFFFFFC0];
	v7 =	vmul.f32 v7, v1  }
0x4b: {  	v4 =	vmul.f32 v4, v8;
	v9 =	vld [tilespmem:s24+$0xFFFFFFD0]  }
0x4c: {  	v5 =	vmul.f32 v5, v8;
	v10 =	vld [tilespmem:s24+$0xFFFFFFE0];
	[tilespmem:s24+$0x70] =	vst v7  }
0x4d: {  	[tilespmem:s24+$0xFFFFFF80] =	vst v4;
	v4 =	vmul.f32 v6, v8;
	v6 =	vld [tilespmem:s24+$0xFFFFFFF0]  }
0x4e: {  	[tilespmem:s24+$0xFFFFFF90] =	vst v5;
	v3 =	vmul.f32 v3, v8;
	v5 =	vld [tilespmem:s24+$0x0]  }
0x4f: {  	[tilespmem:s24+$0xFFFFFFA0] =	vst v4;
	v4 =	vmul.f32 v2, v8;
	v7 =	vld [tilespmem:s24+$0x10]  }
.Ltmp1:
0x50: {  	[tilespmem:s24+$0xFFFFFFB0] =	vst v3;
	v9 =	vmul.f32 v9, v8;
	v2 =	vld [tilespmem:s24+$0x20];
	(pc) =	sbr.rel @p0 .LBB2_5-.Ltmp1, $4  }
0x51: {  	[tilespmem:s24+$0xFFFFFFC0] =	vst v4;
	v10 =	vmul.f32 v10, v8;
	v3 =	vld [tilespmem:s24+$0x30]  }
0x52: {  	[tilespmem:s24+$0xFFFFFFD0] =	vst v9;
	v6 =	vmul.f32 v6, v8;
	v4 =	vld [tilespmem:s24+$0x40]  }
0x53: {  	[tilespmem:s24+$0xFFFFFFE0] =	vst v10;
	v8 =	vmul.f32 v5, v1;
	v5 =	vld [tilespmem:s24+$0x50]  }
0x54: {  	s28 =	sadd.s32 $0x2, s28;
	[tilespmem:s24+$0xFFFFFFF0] =	vst v6;
	v7 =	vmul.f32 v7, v1;
	v6 =	vld [tilespmem:s24+$0x60]  }
0x55: {  	[tilespmem:s24+$0x0] =	vst v8;
	v2 =	vmul.f32 v2, v1  }
0x56: {  	[tilespmem:s25+$0x10] =	vst v7;
	v3 =	vmul.f32 v3, v1  }
0x57: {  	[tilespmem:s25+$0x20] =	vst v2;
	v2 =	vmul.f32 v4, v1  }
0x58: {  	[tilespmem:s25+$0x30] =	vst v3;
	v3 =	vmul.f32 v5, v1  }
0x59: {  	s23 =	sadd.s32 $0x1, s23;
	[tilespmem:s25+$0x40] =	vst v2;
	v1 =	vmul.f32 v6, v1  }
0x5a: {  	p0 =	sne.s32 s23, $0x7D;
	[tilespmem:s25+$0x50] =	vst v3  }
.Ltmp2:
0x5b: {  	[tilespmem:s25+$0x60] =	vst v1;
	(pc) =	sbr.rel @p0 .LBB2_2-.Ltmp2, $4  }
0x5c: {  	[spmem:s3] =	stream.indirect.scatter.add.f32 [tilespmem:s18], [sflag:$0x1], $0x80, s19, s16, $0xb8;
	[tilespmem:$0x1B800] =	vst v63  }
0x5d: {  	_ =	swait.ge [sflag:s12], $0x2800  }
0x5e: {  	[sflag:s12] =	ssyncset.done $0x0  }
0x5f: {  	s22 =	sadd.s32 $0x50, s22;
	s21 =	sadd.s32 $0x50, s21;
	[sflag:s12] =	ssyncadd.s32 $0xFFFFD800  }
0x60: {  	s20 =	sadd.s32 $0x1, s20  }
0x61: {  	p0 =	sne.s32 s20, s10  }
.Ltmp3:
0x62: {  	[bflag:$0x0] =	sbarrier.arrive $0xFFFF;
	(pc) =	sbr.rel @p0 .LBB2_1-.Ltmp3, $4  }
0x63: {  	[hbm:s9], [sflag:s6] =	dma.local [spmem:s11], $0x2800  }
0x64: {  	_ =	swait.ge [sflag:s12], $0x2800  }
0x65: {  	[sflag:s12] =	ssyncset.done $0x0  }
0x66: {  	[sflag:s12] =	ssyncadd.s32 $0xFFFFD800  }
0x67: {  	_ =	sfence.sel $0x180000  }
0x68: {  	[bflag:$0x0] =	sbarrier.arrive $0xFFFF  }
0x69: {  	p0 =	sne.s32 s0, $0x0;
	_ =	strace $0x9000004D  }
0x6a: {  	s0 =	sadd.s32 @!p0 $0x100000, s2;
	[bflag:$0x2] =	sbarrier.arrive $0xFFFF  }
0x6b: {  	[sflag:s0] =	ssyncadd.tile.s32 @!p0 $0x1;
	_ =	shalt  }
.Lfunc_end2:
_tile_overlayer_lowered:
.L_overlay_start_2:
0x6c: {  	(tag) =	ssettag $0x2  }
0x6d: {  	s0 =	rddreg [dreg:$0x0];
	s2 =	stileid.u32  }
0x6e: {  	s1 =	rddreg [dreg:$0x1];
	p0 =	sne.s32 s2, $0x0  }
0x6f: {  	s3 =	rddreg [dreg:$0x2];
	[bflag:$0x3] =	sbarrier.arrive $0xFFFF;
	s2 =	simm.s32 @!p0 $0x1C01  }
0x70: {  	[timem:s3], [sflag:s2] =	dma.local @!p0 [hbm:s0], s1  }
0x71: {  	s0 =	simm.s32 @!p0 $0x1  }
0x72: {  	_ =	swait.ge @!p0 [sflag:s0], s1  }
0x73: {  	s1 =	ssub.s32 @!p0 $0x0, s1;
	[sflag:s0] =	ssyncset.done @!p0 $0x0  }
0x74: {  	[sflag:s0] =	ssyncadd.s32 @!p0 s1  }
0x75: {  	[bflag:$0x3] =	sbarrier.arrive $0xFFFF  }
0x76: {  	_ =	shalt  }

// kernel: kernel.8.cloned.1.call-start
scs
__scs_entry_jumppad:
0x0: {  	(pc) =	sbr.rel $0x88, $3  }
0x1: {  	(tag) =	ssettag $0x0;
	lr =	simm.s32 $0x1  }
0x2: {  	[smem:$0x3F9A] =	sst lr;
	_ =	strace $0xD0000000  }
0x3: {  	_ = 	snop  }
0x4: {  	_ = 	snop  }
0x5: {  	_ = 	snop  }
0x6: {  	_ = 	snop  }
0x7: {  	_ = 	snop  }
__scs_overlays_trampoline_lowered:
0x8: {  	[smem:$0x3FA9] =	sst s0  }
0x9: {  	[smem:$0x3FAA] =	sst s1  }
0xa: {  	[smem:$0x3FAB] =	sst s2  }
0xb: {  	[smem:$0x3FAC] =	sst s3  }
0xc: {  	[smem:$0x3FAD] =	sst s4  }
0xd: {  	[smem:$0x3FAE] =	sst s5  }
0xe: {  	[smem:$0x3FAF] =	sst s6  }
0xf: {  	[smem:$0x3FB0] =	sst s7  }
0x10: {  	[smem:$0x3FB1] =	sst s8  }
0x11: {  	[smem:$0x3FB2] =	sst s9;
	s0 =	simm.s32 @!p0 $0x0  }
0x12: {  	s1 =	sld [smem:$0x3F98];
	s0 =	simm.s32 @p0 $0x1  }
0x13: {  	[smem:$0x3FB3] =	sst s0;
	s0 =	simm.s32 @!p1 $0x0  }
0x14: {  	s2 =	sld [smem:$0x3F97];
	s0 =	simm.s32 @p1 $0x1  }
0x15: {  	[smem:$0x3FB4] =	sst s0;
	s0 =	simm.s32 @!p2 $0x0  }
0x16: {  	s3 =	sld [smem:$0x3FDB];
	s0 =	simm.s32 @p2 $0x1  }
0x17: {  	s4 =	simm.s32 $0x1BF5;
	[smem:$0x3FB6] =	sst s0  }
0x18: {  	s0 =	sld [smem:$0x3F99];
	_ =	swait.ge [sflag:s4], $0x0  }
0x19: {  	s7 =	sld [smem:$0x3F9A]  }
0x1a: {  	s8 =	sadd.s32 $0xFFFFE003, lr  }
0x1b: {  	s9 =	sadd.s32 $0xFFFFFEF7, lr;
	s5 =	simm.s32 $0xFFFFFFFF;
	p2 =	slt.u32 s8, $0xFFFFF086  }
0x1c: {  	p1 =	slt.u32 s9, $0xF7A;
	s5 =	simm.s32 @!p2 $0x0  }
0x1d: {  	s5 =	simm.s32 @p1 $0x1;
	p0 =	seq.s32 s7, s2  }
0x1e: {  	s7 =	smul.u32 @!p0 $0xF7A, s2;
	p2 =	seq.s32 @!p0 s5, $0x0  }
0x1f: {  	s9 =	smul.u32 $0xF7A, s1;
	s8 =	simm.s32 @!p0 $0x1BF5;
	p2 =	por !p2, p0  }
0x20: {  	[sflag:s8] =	ssyncset.s32 @!p0 $0xFFFFF086;
	s6 =	sadd.s32 @!p0 s3, s7;
	s7 =	simm.s32 @!p0 $0x108  }
0x21: {  	s3 =	sadd.s32 s3, s9;
	s6 =	sadd.s32 @!p0 $0x88, s6;
	s7 =	simm.s32 @p2 $0x1082  }
0x22: {  	[simem:s7], [sflag:s8] =	dma.local @!p0 [hbm:s6], $0xF7A  }
0x23: {  	s9 =	sor.u32 $0xD0000000, s2;
	s6 =	simm.s32 $0x108;
	_ =	swait.ge @!p0 [sflag:s8], $0x0  }
0x24: {  	s3 =	sadd.s32 $0x88, s3;
	s6 =	simm.s32 @!p1 $0x1082;
	[sflag:s4] =	ssyncset.s32 $0xFFFFF086  }
0x25: {  	[simem:s6], [sflag:s4] =	dma.local [hbm:s3], $0xF7A  }
0x26: {  	[smem:$0x3F9A] =	sst s1;
	(tag) =	ssettag s2;
	_ =	strace s9  }
0x27: {  	s1 =	sld [smem:$0x3FAA]  }
0x28: {  	s2 =	sld [smem:$0x3FAB]  }
0x29: {  	s4 =	sld [smem:$0x3FAD]  }
0x2a: {  	p0 =	seq.s32 s5, $0x0;
	s5 =	sld [smem:$0x3FAE]  }
0x2b: {  	s6 =	sld [smem:$0x3FAF]  }
0x2c: {  	s7 =	sld [smem:$0x3FB0]  }
0x2d: {  	s3 =	simm.s32 $0x108;
	s8 =	sld [smem:$0x3FB1]  }
0x2e: {  	s3 =	simm.s32 @!p0 $0x1082;
	s9 =	sld [smem:$0x3FB2]  }
0x2f: {  	lr =	sadd.s32 s0, s3;
	s0 =	sld [smem:$0x3FA9]  }
0x30: {  	s3 =	sld [smem:$0x3FAC]  }
0x31: {  	[smem:$0x3FB5] =	sst s10  }
0x32: {  	s10 =	sld [smem:$0x3FB3];
	_ =	sdelay $0x3  }
0x33: {  	p0 =	seq.s32 s10, $0x1;
	s10 =	sld [smem:$0x3FB5];
	_ =	sdelay $0x3  }
0x34: {  	[smem:$0x3FB5] =	sst s10  }
0x35: {  	s10 =	sld [smem:$0x3FB4];
	_ =	sdelay $0x3  }
0x36: {  	p1 =	seq.s32 s10, $0x1;
	s10 =	sld [smem:$0x3FB5];
	_ =	sdelay $0x3  }
0x37: {  	[smem:$0x3FB5] =	sst s10  }
0x38: {  	s10 =	sld [smem:$0x3FB6]  }
0x39: {  	_ = 	snop;
	(pc) =	sbr.ind lr, $3  }
0x3a: {  	_ = 	snop  }
0x3b: {  	_ = 	snop  }
0x3c: {  	p2 =	seq.s32 s10, $0x1;
	s10 =	sld [smem:$0x3FB5]  }
0x3d: {  	_ =	shalt  }
0x3e: {  	_ =	shalt  }
0x3f: {  	_ =	shalt  }
0x40: {  	_ =	shalt  }
0x41: {  	_ =	shalt  }
0x42: {  	_ =	shalt  }
0x43: {  	_ =	shalt  }
0x44: {  	_ =	shalt  }
0x45: {  	_ =	shalt  }
0x46: {  	_ =	shalt  }
0x47: {  	_ =	shalt  }
0x48: {  	_ =	shalt  }
0x49: {  	_ =	shalt  }
0x4a: {  	_ =	shalt  }
0x4b: {  	_ =	shalt  }
0x4c: {  	_ =	shalt  }
0x4d: {  	_ =	shalt  }
0x4e: {  	_ =	shalt  }
0x4f: {  	_ =	shalt  }
0x50: {  	_ =	shalt  }
0x51: {  	_ =	shalt  }
0x52: {  	_ =	shalt  }
0x53: {  	_ =	shalt  }
0x54: {  	_ =	shalt  }
0x55: {  	_ =	shalt  }
0x56: {  	_ =	shalt  }
0x57: {  	_ =	shalt  }
0x58: {  	_ =	shalt  }
0x59: {  	_ =	shalt  }
0x5a: {  	_ =	shalt  }
0x5b: {  	_ =	shalt  }
0x5c: {  	_ =	shalt  }
0x5d: {  	_ =	shalt  }
0x5e: {  	_ =	shalt  }
0x5f: {  	_ =	shalt  }
0x60: {  	_ =	shalt  }
0x61: {  	_ =	shalt  }
0x62: {  	_ =	shalt  }
0x63: {  	_ =	shalt  }
0x64: {  	_ =	shalt  }
0x65: {  	_ =	shalt  }
0x66: {  	_ =	shalt  }
0x67: {  	_ =	shalt  }
0x68: {  	_ =	shalt  }
0x69: {  	_ =	shalt  }
0x6a: {  	_ =	shalt  }
0x6b: {  	_ =	shalt  }
0x6c: {  	_ =	shalt  }
0x6d: {  	_ =	shalt  }
0x6e: {  	_ =	shalt  }
0x6f: {  	_ =	shalt  }
0x70: {  	_ =	shalt  }
0x71: {  	_ =	shalt  }
0x72: {  	_ =	shalt  }
0x73: {  	_ =	shalt  }
0x74: {  	_ =	shalt  }
0x75: {  	_ =	shalt  }
0x76: {  	_ =	shalt  }
0x77: {  	_ =	shalt  }
0x78: {  	_ =	shalt  }
0x79: {  	_ =	shalt  }
0x7a: {  	_ =	shalt  }
0x7b: {  	_ =	shalt  }
0x7c: {  	_ =	shalt  }
0x7d: {  	_ =	shalt  }
0x7e: {  	_ =	shalt  }
0x7f: {  	_ =	shalt  }
0x80: {  	_ =	shalt  }
0x81: {  	_ =	shalt  }
0x82: {  	_ =	shalt  }
0x83: {  	_ =	shalt  }
0x84: {  	_ =	shalt  }
0x85: {  	_ =	shalt  }
0x86: {  	_ =	shalt  }
0x87: {  	_ =	shalt  }
.Lfunc_end0:
.L_simem_size_0:
called_computation_lowered:
.L_overlay_start_0:
0x88: {  	s2 =	sld [smem:$0x3FD9]  }
0x89: {  	s3 =	sld [smem:$0x3FFE];
	_ =	sdelay $0x1  }
0x8a: {  	s1 =	srdreg.scid  }
0x8b: {  	s0 =	sand.u32 $0x1, s1  }
0x8c: {  	s17 =	sshll.u32 s0, $0xA;
	s2 =	sadd.s32 s3, s2  }
0x8d: {  	s2 =	sadd.s32 s2, s17  }
0x8e: {  	[smem:$0x3FC1] =	sst s2  }
0x8f: {  	_ = 	snop  }
0x90: {  	s2 =	sld [smem:$0x3FD0];
	(tm) =	ssettm $0x1  }
0x91: {  	s18 =	sld [smem:$0x3FFB];
	_ =	sdelay $0x3  }
0x92: {  	_ =	strace s18  }
0x93: {  	s3 =	sld [smem:$0x3FFC];
	_ =	sdelay $0x3  }
0x94: {  	_ =	strace s3  }
0x95: {  	s3 =	sld [smem:$0x3FFD];
	_ =	sdelay $0x3  }
0x96: {  	_ =	strace s3  }
0x97: {  	_ =	strace $0x8FFFFFFF  }
0x98: {  	s19 =	sld [smem:$0x3FDB];
	_ =	sdelay $0x1  }
0x99: {  	s4 =	simm.s32 $_scs_section_size  }
0x9a: {  	s5 =	simm.s32 $_size__tile_overlayer_lowered;
	s6 =	simm.s32 $_tile_overlayer_lowered  }
0x9b: {  	s22 =	simm.s32 $0x1BFF;
	s21 =	sshll.u32 s6, $0x1;
	s3 =	sadd.s32 s4, s19  }
0x9c: {  	s7 =	simm.s32 $0x0;
	s20 =	sshll.u32 s5, $0x1;
	s5 =	sadd.s32 s21, s3  }
0x9d: {  	[timem:s7], [sflag:s22] =	dma.local [hbm:s5], s20  }
0x9e: {  	_ =	swait.ge [sflag:s22], s20  }
0x9f: {  	s4 =	ssub.s32 $0x0, s20;
	[sflag:s22] =	ssyncset.done $0x0  }
0xa0: {  	[sflag:s22] =	ssyncadd.s32 s4;
	_ =	sdelay $0x1  }
0xa1: {  	s23 =	simm.s32 $0x1B8B  }
0xa2: {  	_ =	swait.ge [sflag:s23], $0x1  }
0xa3: {  	[sflag:s23] =	ssyncset.done $0x0  }
0xa4: {  	s25 =	simm.s32 $0x1B8E;
	s24 =	sld [smem:$0x3FFE];
	[sflag:s23] =	ssyncadd.s32 $0xFFFFFFFF  }
0xa5: {  	s26 =	simm.s32 $execute0_lowered;
	[smem:$0x3FD2] =	sst s25  }
0xa6: {  	s5 =	sshll.u32 s26, $0x1;
	_ =	strace $0x80000046;
	[dreg:$0x1] =	wrdreg $0xFFFFFFFF  }
0xa7: {  	s28 =	simm.s32 $_size_execute0_lowered;
	s3 =	sadd.s32 s3, s5;
	[dreg:$0x0] =	wrdreg $0x0  }
0xa8: {  	s5 =	sshll.u32 s28, $0x1;
	[dreg:$0x2] =	wrdreg s3  }
0xa9: {  	[dreg:$0x3] =	wrdreg s5  }
0xaa: {  	[dreg:$0x4] =	wrdreg $0xC0  }
0xab: {  	_ =	task [dreg:s7], $0x5FFFF  }
0xac: {  	[dreg:$0x1] =	wrdreg $0xFFFFFFFF  }
0xad: {  	[dreg:$0x0] =	wrdreg $0x60  }
0xae: {  	[dreg:$0x2] =	wrdreg s2  }
0xaf: {  	[dreg:$0x3] =	wrdreg s24  }
0xb0: {  	[dreg:$0x4] =	wrdreg $0x80000  }
0xb1: {  	[dreg:$0x5] =	wrdreg $0x9  }
0xb2: {  	_ =	task.clear_ibuf [dreg:s7], $0x6FFFF;
	_ =	strace $0x90000046  }
0xb3: {  	s29 =	simm.s32 $0x9;
	_ =	strace $0x80000048  }
0xb4: {  	_ =	swait.ge [sflag:s29], $0x1  }
0xb5: {  	[sflag:s29] =	ssyncadd.s32 $0xFFFFFFFF  }
0xb6: {  	_ =	strace $0x90000048  }
0xb7: {  	_ =	sfence  }
0xb8: {  	s30 =	sld [smem:$0x0];
	_ =	sdelay $0x2  }
0xb9: {  	s31 =	sshll.u32 s1, $0xD;
	s1 =	sshrl.u32 s1, $0x2  }
0xba: {  	s3 =	sand.u32 $0x4000, s31;
	s1 =	sadd.s32 s1, s30  }
0xbb: {  	s0 =	sor.u32 s3, s0;
	s1 =	sshll.u32 s1, $0x11  }
0xbc: {  	s0 =	sor.u32 s1, s0  }
0xbd: {  	s0 =	sadd.s32 $0x8F2B, s0  }
0xbe: {  	[sflag:s0] =	ssyncadd.remote.s32 $0x1  }
0xbf: {  	_ =	sfence.sel $0xFFFF  }
0xc0: {  	[dreg:$0x0] =	wrdreg $0xFFFFFFFF;
	(pc) =	sbr.abs _section_cstart, $3  }
0xc1: {  	[dreg:$0x1] =	wrdreg $0xFFFFFFFF  }
0xc2: {  	_ =	task.clear_ibuf [dreg:s7], $0x2FFFF;
	_ =	strace $0x9FFFFFFF  }
0xc3: {  	(tm) =	ssettm $0x7FFFFFFF  }
tec
execute0_lowered:
.L_overlay_start_1:
0x0: {  	(tag) =	ssettag $0x1  }
0x1: {  	s6 =	rddreg [dreg:$0x0]  }
0x2: {  	s5 =	rddreg [dreg:$0x1]  }
0x3: {  	s1 =	rddreg [dreg:$0x2]  }
0x4: {  	s0 =	rddreg [dreg:$0x3];
	s3 =	simm.s32 $0x0;
	s4 =	srdreg.scid  }
0x5: {  	s2 =	stileid.u32;
	s13 =	simm.s32 $0x50;
	s14 =	simm.s32 $0x20  }
0x6: {  	s15 =	simm.s32 $0x10;
	s16 =	simm.s32 $0x0;
	[smem:$0x7FF] =	sst s3  }
0x7: {  	s7 =	sand.u32 $0x1, s4;
	s8 =	sshll.u32 s2, $0xB;
	s9 =	smul.u32 $0x500, s2  }
0x8: {  	s11 =	smul.u32 $0xA00, s2;
	s31 =	sshll.u32 s2, $0x6;
	s4 =	sshll.u32 s7, $0xF  }
0x9: {  	_ =	strace $0x80000047;
	s29 =	sshll.u32 s7, $0x7;
	s7 =	ssub.s32 $0x2, s7  }
0xa: {  	s8 =	sor.u32 s8, s4;
	s9 =	sor.u32 s29, s9;
	s4 =	sadd.s32 $0x13600, s5  }
0xb: {  	s30 =	sshrl.u32 s7, $0x1;
	s11 =	sshrl.u32 s11, $0x2;
	s10 =	sadd.s32 s8, s5  }
0xc: {  	s9 =	sshrl.u32 s9, $0x3;
	s12 =	ssub.s32 s7, s30;
	s11 =	sadd.s32 s11, s1  }
0xd: {  	s6 =	sadd.s32 s6, s8;
	s9 =	sadd.s32 s9, s5;
	s5 =	sor.u32 $0x1C01, s31  }
0xe: {  	s7 =	sadd.s32 $0x3600, s10;
	s10 =	sshrl.u32 s11, $0x3;
	s11 =	simm.s32 $0x1  }
0xf: {  	s8 =	sadd.s32 $0x13800, s9;
	s9 =	smax.u32 s12, $0x1;
	s12 =	simm.s32 $0x4000  }
.LBB2_1:
0x10: {  	[spmem:s10], [sflag:s5] =	dma.local [hbm:s4], $0x50  }
0x11: {  	_ =	swait.ge [sflag:s11], $0x50  }
0x12: {  	[sflag:s11] =	ssyncset.done $0x0  }
0x13: {  	[sflag:s11] =	ssyncadd.s32 $0xFFFFFFB0  }
0x14: {  	[tilespmem:s3], [sflag:$0x1] =	stream.linear.gather [hbm4b:s6+s3], $0x3E80, $0x38;
	[tilespmem:$0x8280] =	vst v63  }
0x15: {  	_ =	swait.ge [sflag:s11], $0x3E80  }
0x16: {  	[sflag:s11] =	ssyncset.done $0x0  }
0x17: {  	[sflag:s11] =	ssyncadd.s32 $0xFFFFC180  }
0x18: {  	[tilespmem:s12], [sflag:$0x1] =	stream.linear.gather [hbm4b:s7+s3], $0x3E80, $0x38;
	[tilespmem:$0x8280] =	vst v63  }
0x19: {  	_ =	swait.ge [sflag:s11], $0x3E80  }
0x1a: {  	[sflag:s11] =	ssyncset.done $0x0  }
0x1b: {  	[sflag:s11] =	ssyncadd.s32 $0xFFFFC180  }
0x1c: {  	s17 =	simm.s32 $0x0;
	s18 =	simm.s32 $0x4000;
	[bflag:$0x0] =	sbarrier.arrive $0xFFFF  }
0x1d: {  	[spmem:s1] =	stream.indirect.scatter.add.f32 [tilespmem:s18], [sflag:$0x1], $0x1, s17, s13, $0xb8;
	[tilespmem:$0x8280] =	vst v63  }
0x1e: {  	s17 =	simm.s32 $0x200;
	_ =	swait.ge [sflag:s11], $0x50  }
.LBB2_2:
0x1f: {  	s18 =	sshra.s32 s17, $0x2;
	[sflag:s11] =	ssyncset.done $0x0;
	p0 =	sne.s32 s17, $0xF800  }
.Ltmp0:
0x20: {  	s19 =	sadd.s32 $0x4000, s18;
	[sflag:s11] =	ssyncadd.s32 $0xFFFFFFB0;
	(pc) =	sbr.rel @p0 .LBB2_2-.Ltmp0, $3  }
0x21: {  	[spmem:s1] =	stream.indirect.scatter.add.f32 [tilespmem:s19], [sflag:$0x1], $0x1, s18, s13, $0xb8;
	[tilespmem:$0x8280] =	vst v63  }
0x22: {  	s17 =	sadd.s32 $0x200, s17;
	_ =	sdelay $0x1  }
0x23: {  	_ =	swait.ge [sflag:s11], $0x50  }
0x24: {  	[sflag:s11] =	ssyncset.done $0x0;
	s16 =	sadd.s32 $0x1, s16  }
0x25: {  	[sflag:s11] =	ssyncadd.s32 $0xFFFFFFB0;
	p0 =	sne.s32 s16, s9  }
.Ltmp1:
0x26: {  	[bflag:$0x0] =	sbarrier.arrive $0xFFFF;
	(pc) =	sbr.rel @p0 .LBB2_1-.Ltmp1, $4  }
0x27: {  	[hbm:s8@s14], [sflag:s5] =	dma.strided [spmem:s10@s15], $0x50, s11, $0x10   }
0x28: {  	_ =	swait.ge [sflag:s11], $0x50  }
0x29: {  	[sflag:s11] =	ssyncset.done $0x0  }
0x2a: {  	[sflag:s11] =	ssyncadd.s32 $0xFFFFFFB0  }
0x2b: {  	_ =	sfence.sel $0x180000  }
0x2c: {  	[bflag:$0x0] =	sbarrier.arrive $0xFFFF  }
0x2d: {  	p0 =	sne.s32 s2, $0x0;
	_ =	strace $0x90000047  }
0x2e: {  	s0 =	sadd.s32 @!p0 $0x100000, s0;
	[bflag:$0x2] =	sbarrier.arrive $0xFFFF  }
0x2f: {  	[sflag:s0] =	ssyncadd.tile.s32 @!p0 $0x1;
	_ =	shalt  }
.Lfunc_end2:
_tile_overlayer_lowered:
.L_overlay_start_2:
0x30: {  	(tag) =	ssettag $0x2  }
0x31: {  	s0 =	rddreg [dreg:$0x0];
	s2 =	stileid.u32  }
0x32: {  	s1 =	rddreg [dreg:$0x1];
	p0 =	sne.s32 s2, $0x0  }
0x33: {  	s3 =	rddreg [dreg:$0x2];
	[bflag:$0x3] =	sbarrier.arrive $0xFFFF;
	s2 =	simm.s32 @!p0 $0x1C01  }
0x34: {  	[timem:s3], [sflag:s2] =	dma.local @!p0 [hbm:s0], s1  }
0x35: {  	s0 =	simm.s32 @!p0 $0x1  }
0x36: {  	_ =	swait.ge @!p0 [sflag:s0], s1  }
0x37: {  	s1 =	ssub.s32 @!p0 $0x0, s1;
	[sflag:s0] =	ssyncset.done @!p0 $0x0  }
0x38: {  	[sflag:s0] =	ssyncadd.s32 @!p0 s1  }
0x39: {  	[bflag:$0x3] =	sbarrier.arrive $0xFFFF  }
0x3a: {  	_ =	shalt  }

</sc_bundles>
